<compile_context>
chip_gen: v7x
topology: tpu7x:2x2x1
jax: 0.10.2.dev20260603
libtpu: 0.0.44.dev20260713+nightly
codegen_flags: <defaults>
</compile_context>

<pallas_src>
import functools

import jax
import jax.numpy as jnp
from jax import lax
from jax.experimental import pallas as pl
from jax.experimental.pallas import tpu as pltpu
from jax.experimental.pallas import tpu_sc as plsc

T_OUT = 2048


@functools.cache
def _make_unpack(N, D, B):
    info = plsc.get_sparse_core_info()
    NC, NS, L = info.num_cores, info.num_subcores, info.num_lanes
    NW = NC * NS
    G = 32
    NGT = (B * T_OUT) // G
    KG = NGT // NW
    assert KG * NW == NGT and T_OUT % G == 0
    GB = T_OUT // G
    NBUF = 3
    ZR = 16

    mesh = plsc.VectorSubcoreMesh(core_axis_name="c", subcore_axis_name="s")

    @functools.partial(
        pl.kernel,
        mesh=mesh,
        out_type=jax.ShapeDtypeStruct((B * T_OUT, D), jnp.float32),
        scratch_types=[
            pltpu.VMEM((KG * G,), jnp.int32),
            pltpu.VMEM((L,), jnp.int32),
            *[pltpu.VMEM((G, D), jnp.float32) for _ in range(NBUF)],
            pltpu.VMEM((ZR, D), jnp.float32),
            *[pltpu.SemaphoreType.DMA for _ in range(2 * NBUF)],
        ],
    )
    def unpack(data_hbm, len_hbm, out_hbm, idx_v, len_v, *rest):
        bufs = rest[:NBUF]
        zbuf = rest[NBUF]
        gsems = rest[NBUF + 1:2 * NBUF + 1]
        wsems = rest[2 * NBUF + 1:3 * NBUF + 1]
        wid = lax.axis_index("s") * NC + lax.axis_index("c")

        len_v[...] = jnp.zeros((L,), jnp.int32)
        pltpu.sync_copy(len_hbm, len_v.at[pl.ds(0, B)])
        lanes = lax.iota(jnp.int32, L)
        lv = len_v[...]
        lens = [lv[j] for j in range(B)]

        def meta(k):
            gg = wid + k * NW
            bk = gg // GB
            t0k = (gg % GB) * G
            lb = lens[0] * 0
            for j in range(B):
                lb = jnp.where(bk == j, lens[j], lb)
            vk = jnp.clip(lb - t0k, 0, G)
            return gg, bk, t0k, vk

        def idx_fill(k, bk, t0k):
            for s in range(G // L):
                t_vec = t0k + s * L + lanes
                acc = jnp.zeros((L,), jnp.int32)
                for lj in lens:
                    acc = acc + jnp.minimum(t_vec, lj)
                idx_v[pl.ds(k * G + s * L, L)] = jnp.minimum(
                    acc + bk, N - 1)

        def gather(k, p):
            return pltpu.make_async_copy(
                data_hbm.at[idx_v.at[pl.ds(k * G, G)]], bufs[p], gsems[p]
            )

        def write(gg, p, src):
            return pltpu.make_async_copy(
                src, out_hbm.at[pl.ds(gg * G, G)], wsems[p]
            )

        for k in range(min(NBUF, KG)):
            gg, bk, t0k, vk = meta(k)
            idx_fill(k, bk, t0k)

            @pl.when(vk > 0)
            def _(k=k, p=k % NBUF):
                gather(k, p).start()

        def zrow(i, carry):
            def zcol(c, carry2):
                zbuf[i, pl.ds(c * L, L)] = jnp.zeros((L,), jnp.float32)
                return carry2

            return lax.fori_loop(0, D // L, zcol, carry)

        lax.fori_loop(0, ZR, zrow, 0)

        def idx_body(k, carry):
            _, bk, t0k, _ = meta(k)
            idx_fill(k, bk, t0k)
            return carry

        lax.fori_loop(min(NBUF, KG), KG, idx_body, 0)

        def slot(k, p):
            gg, bk, t0k, vk = meta(k)

            @pl.when(vk > 0)
            def _():
                gather(k, p).wait()

                @pl.when(vk < G)
                def _():
                    def zfix(i, carry):
                        def zcol(c, carry2):
                            bufs[p][i, pl.ds(c * L, L)] = jnp.zeros(
                                (L,), jnp.float32)
                            return carry2

                        return lax.fori_loop(0, D // L, zcol, carry)

                    lax.fori_loop(vk, G, zfix, 0)

                write(gg, p, bufs[p]).start()

            @pl.when(vk <= 0)
            def _():
                for q in range(G // ZR):
                    pltpu.make_async_copy(
                        zbuf,
                        out_hbm.at[pl.ds(gg * G + q * ZR, ZR)],
                        wsems[p],
                    ).start()

            @pl.when(k + NBUF < KG)
            def _():
                vn = meta(k + NBUF)[3]
                write(gg, p, bufs[p]).wait()

                @pl.when(vn > 0)
                def _():
                    gather(k + NBUF, p).start()

        def main_body(j, carry):
            for i in range(NBUF):
                k = j * NBUF + i

                @pl.when(k < KG)
                def _(k=k, i=i):
                    slot(k, i)

            return carry

        lax.fori_loop(0, (KG + NBUF - 1) // NBUF, main_body, 0)

        for k in range(max(0, KG - NBUF), KG):
            write(wid + k * NW, k % NBUF, bufs[k % NBUF]).wait()

    return unpack


def kernel(data, lengths):
    N, D = data.shape
    B = lengths.shape[0]
    out = _make_unpack(N, D, B)(data, lengths.astype(jnp.int32))
    return out.reshape(B, T_OUT, D), lengths

# --- scband reference (transcript-rebuilt; emitter-appended) ---
"""Pipeline reference for scband-un-pack-and-masking-12541304504911 (READ-ONLY COPY).

The authoritative reference and input builder live on the scoring server;
editing this copy changes nothing except your own understanding.
"""

import jax, jax.numpy as jnp
import numpy as np

SEQUENCE_LENGTH = 2048  # total_length passed to pad_packed_sequence
D_MODEL = 1024
# Descending lengths (PackedSequence requires sorted-by-length-desc batch ordering).
LENGTHS = np.array([2048, 1536, 1280, 1024, 896, 640, 512, 256], dtype=np.int64)


def setup_inputs(seed: int = 0) -> dict:
    key = jax.random.key(seed)
    total_tokens = int(LENGTHS.sum())  # 8192
    data = jax.random.normal(key, (total_tokens, D_MODEL), dtype=jnp.float32)
    lengths = jnp.asarray(LENGTHS)
    return {"data": data, "lengths": lengths}


def _unpack(data, lengths):
    # Emulates torch.nn.utils.rnn.pad_packed_sequence(packed, total_length=SEQUENCE_LENGTH,
    #                                                  padding_value=0.0, batch_first=True)
    # PackedSequence layout: data rows are concatenated time-major:
    #   for t in range(T): rows for batch indices 0..batch_sizes[t]-1
    # where batch_sizes[t] = number of sequences with length > t.
    T = SEQUENCE_LENGTH
    B = lengths.shape[0]
    t_idx = jnp.arange(T)
    batch_sizes = jnp.sum(lengths[None, :] > t_idx[:, None], axis=1)  # [T], non-increasing
    csum = jnp.cumsum(batch_sizes)
    offsets = jnp.concatenate([jnp.zeros((1,), dtype=csum.dtype), csum[:-1]])  # [T]
    b_idx = jnp.arange(B)
    row_idx = offsets[:, None] + b_idx[None, :]  # [T, B] index into packed data
    mask = b_idx[None, :] < batch_sizes[:, None]  # [T, B] valid entries
    safe_idx = jnp.clip(row_idx, 0, data.shape[0] - 1)
    gathered = jnp.take(data, safe_idx, axis=0)  # [T, B, D] (gather -> SparseCore friendly)
    padded_tb = jnp.where(mask[:, :, None], gathered, jnp.zeros((), dtype=data.dtype))
    padded = jnp.transpose(padded_tb, (1, 0, 2))  # batch_first: [B, T, D]
    return padded


def reference(data, lengths):
    padded = _unpack(data, lengths)
    # pad_packed_sequence returns (padded_tensor, lengths)
    return padded, lengths

if __name__ == "__main__":
    import jax
    _d = setup_inputs()
    print(jax.jit(kernel)(*tuple(_d.values())))

</pallas_src>

<mosaic_0001>
#map = affine_map<(d0, d1) -> (0, 0)>
#map1 = affine_map<(d0, d1) -> (0)>
module attributes {stable_mosaic.version = 14 : i64} {
  func.func @unpack(%arg0: i32, %arg1: i32, %arg2: memref<8192x1024xf32, #tpu.memory_space<hbm>>, %arg3: memref<8xi32, #tpu.memory_space<hbm>>, %arg4: memref<16384x1024xf32, #tpu.memory_space<hbm>>, %arg5: memref<512xi32, #tpu.memory_space<vmem>>, %arg6: memref<16xi32, #tpu.memory_space<vmem>>, %arg7: memref<32x1024xf32, #tpu.memory_space<vmem>>, %arg8: memref<32x1024xf32, #tpu.memory_space<vmem>>, %arg9: memref<32x1024xf32, #tpu.memory_space<vmem>>, %arg10: memref<16x1024xf32, #tpu.memory_space<vmem>>, %arg11: memref<!tpu.dma_semaphore, #tpu.memory_space<semaphore_mem>>, %arg12: memref<!tpu.dma_semaphore, #tpu.memory_space<semaphore_mem>>, %arg13: memref<!tpu.dma_semaphore, #tpu.memory_space<semaphore_mem>>, %arg14: memref<!tpu.dma_semaphore, #tpu.memory_space<semaphore_mem>>, %arg15: memref<!tpu.dma_semaphore, #tpu.memory_space<semaphore_mem>>, %arg16: memref<!tpu.dma_semaphore, #tpu.memory_space<semaphore_mem>>) attributes {dimension_semantics = [#tpu.dimension_semantics<core_parallel>, #tpu.dimension_semantics<subcore_parallel>], iteration_bounds = array<i64: 2, 16>, scalar_prefetch = 0 : i64, scratch_operands = 12 : i64, tpu.core_type = #tpu.core_type<sc_vector_subcore>, window_params = [{transform_indices = #map}, {transform_indices = #map1}, {transform_indices = #map}]} {
    %mul3A = arith.constant 2 : i32
    %mul3A_0 = arith.muli %arg1, %mul3A : i32
    %add3A = arith.addi %mul3A_0, %arg0 : i32
    %broadcast_in_dim3A = arith.constant 0 : i32
    %broadcast_in_dim3A_1 = vector.broadcast %broadcast_in_dim3A : i32 to vector<16xi32>
    %swap3A = arith.constant 0 : index
    %swap3A_2 = tpu.vector_load %arg6[%swap3A] {strides = array<i32>} : memref<16xi32, #tpu.memory_space<vmem>>, vector<16xi32>,
    %swap3A_3 = vector.shape_cast %swap3A_2 : vector<16xi32> to vector<16xi32>
    %swap3A_4 = vector.shape_cast %broadcast_in_dim3A_1 : vector<16xi32> to vector<16xi32>
    tpu.vector_store %arg6[%swap3A], %swap3A_4 {strides = array<i32>} : memref<16xi32, #tpu.memory_space<vmem>>, vector<16xi32>,
    "tpu.region"() ({
      %run_scoped3A = tpu.sem_alloc : memref<!tpu.dma_semaphore, #tpu.memory_space<semaphore_mem>>
      %dma_start3A = arith.constant 0 : i32
      %dma_start3A_520 = tpu.memref_slice %arg6[%dma_start3A] : memref<16xi32, #tpu.memory_space<vmem>> -> memref<8xi32, #tpu.memory_space<vmem>>
      %dma_start3A_521 = arith.constant 0 : i32
      %dma_start3A_522 = tpu.memref_slice %arg6[%dma_start3A_521] : memref<16xi32, #tpu.memory_space<vmem>> -> memref<8xi32, #tpu.memory_space<vmem>>
      tpu.enqueue_dma source(%arg3 : memref<8xi32, #tpu.memory_space<hbm>>) target(%dma_start3A_522 : memref<8xi32, #tpu.memory_space<vmem>>) target_semaphore(%run_scoped3A : memref<!tpu.dma_semaphore, #tpu.memory_space<semaphore_mem>>)
      %dma_wait3A_523 = arith.constant 0 : i32
      %dma_wait3A_524 = tpu.memref_slice %arg6[%dma_wait3A_523] : memref<16xi32, #tpu.memory_space<vmem>> -> memref<8xi32, #tpu.memory_space<vmem>>
      %dma_wait3A_525 = arith.constant 0 : i32
      %dma_wait3A_526 = tpu.memref_slice %arg6[%dma_wait3A_525] : memref<16xi32, #tpu.memory_space<vmem>> -> memref<8xi32, #tpu.memory_space<vmem>>
      tpu.wait_dma2 semaphore(%run_scoped3A : memref<!tpu.dma_semaphore, #tpu.memory_space<semaphore_mem>>) src(%arg3 : memref<8xi32, #tpu.memory_space<hbm>>) dst(%dma_wait3A_526 : memref<8xi32, #tpu.memory_space<vmem>>)
      tpu.yield
    }) : () -> ()
    %iota3A = tpu.iota {dimensions = array<i32: 0>} : vector<16xi32>
    %get3A = arith.constant 0 : index
    %get3A_5 = tpu.vector_load %arg6[%get3A] {strides = array<i32>} : memref<16xi32, #tpu.memory_space<vmem>>, vector<16xi32>,
    %get3A_6 = vector.shape_cast %get3A_5 : vector<16xi32> to vector<16xi32>
    %slice3A = vector.extract_strided_slice %get3A_6 {offsets = [0], sizes = [1], strides = [1]} : vector<16xi32> to vector<1xi32>
    %squeeze3A = vector.extract %slice3A[0] : i32 from vector<1xi32>
    %slice3A_7 = vector.extract_strided_slice %get3A_6 {offsets = [1], sizes = [1], strides = [1]} : vector<16xi32> to vector<1xi32>
    %squeeze3A_8 = vector.extract %slice3A_7[0] : i32 from vector<1xi32>
    %slice3A_9 = vector.extract_strided_slice %get3A_6 {offsets = [2], sizes = [1], strides = [1]} : vector<16xi32> to vector<1xi32>
    %squeeze3A_10 = vector.extract %slice3A_9[0] : i32 from vector<1xi32>
    %slice3A_11 = vector.extract_strided_slice %get3A_6 {offsets = [3], sizes = [1], strides = [1]} : vector<16xi32> to vector<1xi32>
    %squeeze3A_12 = vector.extract %slice3A_11[0] : i32 from vector<1xi32>
    %slice3A_13 = vector.extract_strided_slice %get3A_6 {offsets = [4], sizes = [1], strides = [1]} : vector<16xi32> to vector<1xi32>
    %squeeze3A_14 = vector.extract %slice3A_13[0] : i32 from vector<1xi32>
    %slice3A_15 = vector.extract_strided_slice %get3A_6 {offsets = [5], sizes = [1], strides = [1]} : vector<16xi32> to vector<1xi32>
    %squeeze3A_16 = vector.extract %slice3A_15[0] : i32 from vector<1xi32>
    %slice3A_17 = vector.extract_strided_slice %get3A_6 {offsets = [6], sizes = [1], strides = [1]} : vector<16xi32> to vector<1xi32>
    %squeeze3A_18 = vector.extract %slice3A_17[0] : i32 from vector<1xi32>
    %slice3A_19 = vector.extract_strided_slice %get3A_6 {offsets = [7], sizes = [1], strides = [1]} : vector<16xi32> to vector<1xi32>
    %squeeze3A_20 = vector.extract %slice3A_19[0] : i32 from vector<1xi32>
    %add3A_21 = arith.constant 0 : i32
    %add3A_22 = arith.addi %add3A, %add3A_21 : i32
    %jit3A = arith.constant 64 : i32
    %div3A = arith.divsi %add3A_22, %jit3A : i32
    %sign3A = arith.constant 0 : i32
    %sign3A_23 = arith.cmpi sgt, %add3A_22, %sign3A : i32
    %sign3A_24 = arith.extui %sign3A_23 : i1 to i32
    %sign3A_25 = arith.constant 0 : i32
    %sign3A_26 = arith.cmpi slt, %add3A_22, %sign3A_25 : i32
    %sign3A_27 = arith.extui %sign3A_26 : i1 to i32
    %sign3A_28 = arith.subi %sign3A_24, %sign3A_27 : i32
    %sign3A_29 = arith.constant 0 : i32
    %sign3A_30 = arith.cmpi sgt, %jit3A, %sign3A_29 : i32
    %sign3A_31 = arith.extui %sign3A_30 : i1 to i32
    %sign3A_32 = arith.constant 0 : i32
    %sign3A_33 = arith.cmpi slt, %jit3A, %sign3A_32 : i32
    %sign3A_34 = arith.extui %sign3A_33 : i1 to i32
    %sign3A_35 = arith.subi %sign3A_31, %sign3A_34 : i32
    %ne3A = arith.cmpi ne, %sign3A_28, %sign3A_35 : i32
    %rem3A = arith.remsi %add3A_22, %jit3A : i32
    %ne3A_36 = arith.constant 0 : i32
    %ne3A_37 = arith.cmpi ne, %rem3A, %ne3A_36 : i32
    %and3A = arith.andi %ne3A, %ne3A_37 : i1
    %sub3A = arith.constant 1 : i32
    %sub3A_38 = arith.subi %div3A, %sub3A : i32
    %select_n3A = arith.select %and3A, %sub3A_38, %div3A : i32
    %jit3A_39 = arith.constant 64 : i32
    %eq3A = arith.constant 0 : i32
    %eq3A_40 = arith.cmpi eq, %jit3A_39, %eq3A : i32
    %jit3A_41 = arith.constant 1 : i32
    %select_n3A_42 = arith.select %eq3A_40, %jit3A_41, %jit3A_39 : i32
    %rem3A_43 = arith.remsi %add3A_22, %select_n3A_42 : i32
    %ne3A_44 = arith.constant 0 : i32
    %ne3A_45 = arith.cmpi ne, %rem3A_43, %ne3A_44 : i32
    %lt3A = arith.constant 0 : i32
    %lt3A_46 = arith.cmpi slt, %rem3A_43, %lt3A : i32
    %lt3A_47 = arith.constant 0 : i32
    %lt3A_48 = arith.cmpi slt, %select_n3A_42, %lt3A_47 : i32
    %ne3A_49 = arith.xori %lt3A_46, %lt3A_48 : i1
    %and3A_50 = arith.andi %ne3A_49, %ne3A_45 : i1
    %add3A_51 = arith.addi %rem3A_43, %select_n3A_42 : i32
    %select_n3A_52 = arith.select %and3A_50, %add3A_51, %rem3A_43 : i32
    %mul3A_53 = arith.constant 32 : i32
    %mul3A_54 = arith.muli %select_n3A_52, %mul3A_53 : i32
    %mul3A_55 = arith.constant 0 : i32
    %mul3A_56 = arith.muli %squeeze3A, %mul3A_55 : i32
    %eq3A_57 = arith.constant 0 : i32
    %eq3A_58 = arith.cmpi eq, %select_n3A, %eq3A_57 : i32
    %select_n3A_59 = arith.select %eq3A_58, %squeeze3A, %mul3A_56 : i32
    %eq3A_60 = arith.constant 1 : i32
    %eq3A_61 = arith.cmpi eq, %select_n3A, %eq3A_60 : i32
    %select_n3A_62 = arith.select %eq3A_61, %squeeze3A_8, %select_n3A_59 : i32
    %eq3A_63 = arith.constant 2 : i32
    %eq3A_64 = arith.cmpi eq, %select_n3A, %eq3A_63 : i32
    %select_n3A_65 = arith.select %eq3A_64, %squeeze3A_10, %select_n3A_62 : i32
    %eq3A_66 = arith.constant 3 : i32
    %eq3A_67 = arith.cmpi eq, %select_n3A, %eq3A_66 : i32
    %select_n3A_68 = arith.select %eq3A_67, %squeeze3A_12, %select_n3A_65 : i32
    %eq3A_69 = arith.constant 4 : i32
    %eq3A_70 = arith.cmpi eq, %select_n3A, %eq3A_69 : i32
    %select_n3A_71 = arith.select %eq3A_70, %squeeze3A_14, %select_n3A_68 : i32
    %eq3A_72 = arith.constant 5 : i32
    %eq3A_73 = arith.cmpi eq, %select_n3A, %eq3A_72 : i32
    %select_n3A_74 = arith.select %eq3A_73, %squeeze3A_16, %select_n3A_71 : i32
    %eq3A_75 = arith.constant 6 : i32
    %eq3A_76 = arith.cmpi eq, %select_n3A, %eq3A_75 : i32
    %select_n3A_77 = arith.select %eq3A_76, %squeeze3A_18, %select_n3A_74 : i32
    %eq3A_78 = arith.constant 7 : i32
    %eq3A_79 = arith.cmpi eq, %select_n3A, %eq3A_78 : i32
    %select_n3A_80 = arith.select %eq3A_79, %squeeze3A_20, %select_n3A_77 : i32
    %sub3A_81 = arith.subi %select_n3A_80, %mul3A_54 : i32
    %jit3A_82 = arith.constant 0 : i32
    %jit3A_83 = arith.constant 32 : i32
    %max3A = arith.maxsi %jit3A_82, %sub3A_81 : i32
    %min3A = arith.minsi %jit3A_83, %max3A : i32
    %add3A_84 = arith.constant 0 : i32
    %add3A_85 = arith.addi %mul3A_54, %add3A_84 : i32
    %add3A_86 = vector.broadcast %add3A_85 : i32 to vector<16xi32>
    %add3A_87 = arith.addi %add3A_86, %iota3A : vector<16xi32>
    %broadcast_in_dim3A_88 = arith.constant 0 : i32
    %broadcast_in_dim3A_89 = vector.broadcast %broadcast_in_dim3A_88 : i32 to vector<16xi32>
    %min3A_90 = vector.broadcast %squeeze3A : i32 to vector<16xi32>
    %min3A_91 = arith.minsi %add3A_87, %min3A_90 : vector<16xi32>
    %add3A_92 = arith.addi %broadcast_in_dim3A_89, %min3A_91 : vector<16xi32>
    %min3A_93 = vector.broadcast %squeeze3A_8 : i32 to vector<16xi32>
    %min3A_94 = arith.minsi %add3A_87, %min3A_93 : vector<16xi32>
    %add3A_95 = arith.addi %add3A_92, %min3A_94 : vector<16xi32>
    %min3A_96 = vector.broadcast %squeeze3A_10 : i32 to vector<16xi32>
    %min3A_97 = arith.minsi %add3A_87, %min3A_96 : vector<16xi32>
    %add3A_98 = arith.addi %add3A_95, %min3A_97 : vector<16xi32>
    %min3A_99 = vector.broadcast %squeeze3A_12 : i32 to vector<16xi32>
    %min3A_100 = arith.minsi %add3A_87, %min3A_99 : vector<16xi32>
    %add3A_101 = arith.addi %add3A_98, %min3A_100 : vector<16xi32>
    %min3A_102 = vector.broadcast %squeeze3A_14 : i32 to vector<16xi32>
    %min3A_103 = arith.minsi %add3A_87, %min3A_102 : vector<16xi32>
    %add3A_104 = arith.addi %add3A_101, %min3A_103 : vector<16xi32>
    %min3A_105 = vector.broadcast %squeeze3A_16 : i32 to vector<16xi32>
    %min3A_106 = arith.minsi %add3A_87, %min3A_105 : vector<16xi32>
    %add3A_107 = arith.addi %add3A_104, %min3A_106 : vector<16xi32>
    %min3A_108 = vector.broadcast %squeeze3A_18 : i32 to vector<16xi32>
    %min3A_109 = arith.minsi %add3A_87, %min3A_108 : vector<16xi32>
    %add3A_110 = arith.addi %add3A_107, %min3A_109 : vector<16xi32>
    %min3A_111 = vector.broadcast %squeeze3A_20 : i32 to vector<16xi32>
    %min3A_112 = arith.minsi %add3A_87, %min3A_111 : vector<16xi32>
    %add3A_113 = arith.addi %add3A_110, %min3A_112 : vector<16xi32>
    %add3A_114 = vector.broadcast %select_n3A : i32 to vector<16xi32>
    %add3A_115 = arith.addi %add3A_113, %add3A_114 : vector<16xi32>
    %min3A_116 = arith.constant 8191 : i32
    %min3A_117 = vector.broadcast %min3A_116 : i32 to vector<16xi32>
    %min3A_118 = arith.minsi %add3A_115, %min3A_117 : vector<16xi32>
    %swap3A_119 = arith.constant 0 : index
    %swap3A_120 = tpu.vector_load %arg5[%swap3A_119] {strides = array<i32>} : memref<512xi32, #tpu.memory_space<vmem>>, vector<16xi32>,
    %swap3A_121 = vector.shape_cast %swap3A_120 : vector<16xi32> to vector<16xi32>
    %swap3A_122 = vector.shape_cast %min3A_118 : vector<16xi32> to vector<16xi32>
    tpu.vector_store %arg5[%swap3A_119], %swap3A_122 {strides = array<i32>} : memref<512xi32, #tpu.memory_space<vmem>>, vector<16xi32>,
    %add3A_123 = arith.constant 16 : i32
    %add3A_124 = arith.addi %mul3A_54, %add3A_123 : i32
    %add3A_125 = vector.broadcast %add3A_124 : i32 to vector<16xi32>
    %add3A_126 = arith.addi %add3A_125, %iota3A : vector<16xi32>
    %broadcast_in_dim3A_127 = arith.constant 0 : i32
    %broadcast_in_dim3A_128 = vector.broadcast %broadcast_in_dim3A_127 : i32 to vector<16xi32>
    %min3A_129 = vector.broadcast %squeeze3A : i32 to vector<16xi32>
    %min3A_130 = arith.minsi %add3A_126, %min3A_129 : vector<16xi32>
    %add3A_131 = arith.addi %broadcast_in_dim3A_128, %min3A_130 : vector<16xi32>
    %min3A_132 = vector.broadcast %squeeze3A_8 : i32 to vector<16xi32>
    %min3A_133 = arith.minsi %add3A_126, %min3A_132 : vector<16xi32>
    %add3A_134 = arith.addi %add3A_131, %min3A_133 : vector<16xi32>
    %min3A_135 = vector.broadcast %squeeze3A_10 : i32 to vector<16xi32>
    %min3A_136 = arith.minsi %add3A_126, %min3A_135 : vector<16xi32>
    %add3A_137 = arith.addi %add3A_134, %min3A_136 : vector<16xi32>
    %min3A_138 = vector.broadcast %squeeze3A_12 : i32 to vector<16xi32>
    %min3A_139 = arith.minsi %add3A_126, %min3A_138 : vector<16xi32>
    %add3A_140 = arith.addi %add3A_137, %min3A_139 : vector<16xi32>
    %min3A_141 = vector.broadcast %squeeze3A_14 : i32 to vector<16xi32>
    %min3A_142 = arith.minsi %add3A_126, %min3A_141 : vector<16xi32>
    %add3A_143 = arith.addi %add3A_140, %min3A_142 : vector<16xi32>
    %min3A_144 = vector.broadcast %squeeze3A_16 : i32 to vector<16xi32>
    %min3A_145 = arith.minsi %add3A_126, %min3A_144 : vector<16xi32>
    %add3A_146 = arith.addi %add3A_143, %min3A_145 : vector<16xi32>
    %min3A_147 = vector.broadcast %squeeze3A_18 : i32 to vector<16xi32>
    %min3A_148 = arith.minsi %add3A_126, %min3A_147 : vector<16xi32>
    %add3A_149 = arith.addi %add3A_146, %min3A_148 : vector<16xi32>
    %min3A_150 = vector.broadcast %squeeze3A_20 : i32 to vector<16xi32>
    %min3A_151 = arith.minsi %add3A_126, %min3A_150 : vector<16xi32>
    %add3A_152 = arith.addi %add3A_149, %min3A_151 : vector<16xi32>
    %add3A_153 = vector.broadcast %select_n3A : i32 to vector<16xi32>
    %add3A_154 = arith.addi %add3A_152, %add3A_153 : vector<16xi32>
    %min3A_155 = arith.constant 8191 : i32
    %min3A_156 = vector.broadcast %min3A_155 : i32 to vector<16xi32>
    %min3A_157 = arith.minsi %add3A_154, %min3A_156 : vector<16xi32>
    %swap3A_158 = arith.constant 16 : index
    %swap3A_159 = tpu.vector_load %arg5[%swap3A_158] {strides = array<i32>} : memref<512xi32, #tpu.memory_space<vmem>>, vector<16xi32>,
    %swap3A_160 = vector.shape_cast %swap3A_159 : vector<16xi32> to vector<16xi32>
    %swap3A_161 = vector.shape_cast %min3A_157 : vector<16xi32> to vector<16xi32>
    tpu.vector_store %arg5[%swap3A_158], %swap3A_161 {strides = array<i32>} : memref<512xi32, #tpu.memory_space<vmem>>, vector<16xi32>,
    %gt3A = arith.constant 0 : i32
    %gt3A_162 = arith.cmpi sgt, %min3A, %gt3A : i32
    %convert_element_type3A = arith.extui %gt3A_162 : i1 to i32
    %cond3A = arith.constant 0 : i32
    %cond3A_163 = arith.cmpi ne, %convert_element_type3A, %cond3A : i32
    scf.if %cond3A_163 {
      %dma_start3A = arith.constant 0 : i32
      %dma_start3A_520 = tpu.memref_slice %arg5[%dma_start3A] : memref<512xi32, #tpu.memory_space<vmem>> -> memref<32xi32, #tpu.memory_space<vmem>>
      %dma_start3A_521 = arith.constant 0 : i32
      %dma_start3A_522 = arith.constant 0 : i32
      %dma_start3A_523 = tpu.memref_slice %arg2[%dma_start3A_521, %dma_start3A_522] : memref<8192x1024xf32, #tpu.memory_space<hbm>> -> memref<8192x1024xf32, #tpu.memory_space<hbm>>
      tpu.enqueue_indirect_dma source(%dma_start3A_523 : memref<8192x1024xf32, #tpu.memory_space<hbm>>) target(%arg7 : memref<32x1024xf32, #tpu.memory_space<vmem>>) offsets(%dma_start3A_520 : memref<32xi32, #tpu.memory_space<vmem>>) semaphore(%arg11 : memref<!tpu.dma_semaphore, #tpu.memory_space<semaphore_mem>>)
    } else {
    }
    %add3A_164 = arith.constant 32 : i32
    %add3A_165 = arith.addi %add3A, %add3A_164 : i32
    %jit3A_166 = arith.constant 64 : i32
    %div3A_167 = arith.divsi %add3A_165, %jit3A_166 : i32
    %sign3A_168 = arith.constant 0 : i32
    %sign3A_169 = arith.cmpi sgt, %add3A_165, %sign3A_168 : i32
    %sign3A_170 = arith.extui %sign3A_169 : i1 to i32
    %sign3A_171 = arith.constant 0 : i32
    %sign3A_172 = arith.cmpi slt, %add3A_165, %sign3A_171 : i32
    %sign3A_173 = arith.extui %sign3A_172 : i1 to i32
    %sign3A_174 = arith.subi %sign3A_170, %sign3A_173 : i32
    %sign3A_175 = arith.constant 0 : i32
    %sign3A_176 = arith.cmpi sgt, %jit3A_166, %sign3A_175 : i32
    %sign3A_177 = arith.extui %sign3A_176 : i1 to i32
    %sign3A_178 = arith.constant 0 : i32
    %sign3A_179 = arith.cmpi slt, %jit3A_166, %sign3A_178 : i32
    %sign3A_180 = arith.extui %sign3A_179 : i1 to i32
    %sign3A_181 = arith.subi %sign3A_177, %sign3A_180 : i32
    %ne3A_182 = arith.cmpi ne, %sign3A_174, %sign3A_181 : i32
    %rem3A_183 = arith.remsi %add3A_165, %jit3A_166 : i32
    %ne3A_184 = arith.constant 0 : i32
    %ne3A_185 = arith.cmpi ne, %rem3A_183, %ne3A_184 : i32
    %and3A_186 = arith.andi %ne3A_182, %ne3A_185 : i1
    %sub3A_187 = arith.constant 1 : i32
    %sub3A_188 = arith.subi %div3A_167, %sub3A_187 : i32
    %select_n3A_189 = arith.select %and3A_186, %sub3A_188, %div3A_167 : i32
    %jit3A_190 = arith.constant 64 : i32
    %eq3A_191 = arith.constant 0 : i32
    %eq3A_192 = arith.cmpi eq, %jit3A_190, %eq3A_191 : i32
    %jit3A_193 = arith.constant 1 : i32
    %select_n3A_194 = arith.select %eq3A_192, %jit3A_193, %jit3A_190 : i32
    %rem3A_195 = arith.remsi %add3A_165, %select_n3A_194 : i32
    %ne3A_196 = arith.constant 0 : i32
    %ne3A_197 = arith.cmpi ne, %rem3A_195, %ne3A_196 : i32
    %lt3A_198 = arith.constant 0 : i32
    %lt3A_199 = arith.cmpi slt, %rem3A_195, %lt3A_198 : i32
    %lt3A_200 = arith.constant 0 : i32
    %lt3A_201 = arith.cmpi slt, %select_n3A_194, %lt3A_200 : i32
    %ne3A_202 = arith.xori %lt3A_199, %lt3A_201 : i1
    %and3A_203 = arith.andi %ne3A_202, %ne3A_197 : i1
    %add3A_204 = arith.addi %rem3A_195, %select_n3A_194 : i32
    %select_n3A_205 = arith.select %and3A_203, %add3A_204, %rem3A_195 : i32
    %mul3A_206 = arith.constant 32 : i32
    %mul3A_207 = arith.muli %select_n3A_205, %mul3A_206 : i32
    %mul3A_208 = arith.constant 0 : i32
    %mul3A_209 = arith.muli %squeeze3A, %mul3A_208 : i32
    %eq3A_210 = arith.constant 0 : i32
    %eq3A_211 = arith.cmpi eq, %select_n3A_189, %eq3A_210 : i32
    %select_n3A_212 = arith.select %eq3A_211, %squeeze3A, %mul3A_209 : i32
    %eq3A_213 = arith.constant 1 : i32
    %eq3A_214 = arith.cmpi eq, %select_n3A_189, %eq3A_213 : i32
    %select_n3A_215 = arith.select %eq3A_214, %squeeze3A_8, %select_n3A_212 : i32
    %eq3A_216 = arith.constant 2 : i32
    %eq3A_217 = arith.cmpi eq, %select_n3A_189, %eq3A_216 : i32
    %select_n3A_218 = arith.select %eq3A_217, %squeeze3A_10, %select_n3A_215 : i32
    %eq3A_219 = arith.constant 3 : i32
    %eq3A_220 = arith.cmpi eq, %select_n3A_189, %eq3A_219 : i32
    %select_n3A_221 = arith.select %eq3A_220, %squeeze3A_12, %select_n3A_218 : i32
    %eq3A_222 = arith.constant 4 : i32
    %eq3A_223 = arith.cmpi eq, %select_n3A_189, %eq3A_222 : i32
    %select_n3A_224 = arith.select %eq3A_223, %squeeze3A_14, %select_n3A_221 : i32
    %eq3A_225 = arith.constant 5 : i32
    %eq3A_226 = arith.cmpi eq, %select_n3A_189, %eq3A_225 : i32
    %select_n3A_227 = arith.select %eq3A_226, %squeeze3A_16, %select_n3A_224 : i32
    %eq3A_228 = arith.constant 6 : i32
    %eq3A_229 = arith.cmpi eq, %select_n3A_189, %eq3A_228 : i32
    %select_n3A_230 = arith.select %eq3A_229, %squeeze3A_18, %select_n3A_227 : i32
    %eq3A_231 = arith.constant 7 : i32
    %eq3A_232 = arith.cmpi eq, %select_n3A_189, %eq3A_231 : i32
    %select_n3A_233 = arith.select %eq3A_232, %squeeze3A_20, %select_n3A_230 : i32
    %sub3A_234 = arith.subi %select_n3A_233, %mul3A_207 : i32
    %jit3A_235 = arith.constant 0 : i32
    %jit3A_236 = arith.constant 32 : i32
    %max3A_237 = arith.maxsi %jit3A_235, %sub3A_234 : i32
    %min3A_238 = arith.minsi %jit3A_236, %max3A_237 : i32
    %add3A_239 = arith.constant 0 : i32
    %add3A_240 = arith.addi %mul3A_207, %add3A_239 : i32
    %add3A_241 = vector.broadcast %add3A_240 : i32 to vector<16xi32>
    %add3A_242 = arith.addi %add3A_241, %iota3A : vector<16xi32>
    %broadcast_in_dim3A_243 = arith.constant 0 : i32
    %broadcast_in_dim3A_244 = vector.broadcast %broadcast_in_dim3A_243 : i32 to vector<16xi32>
    %min3A_245 = vector.broadcast %squeeze3A : i32 to vector<16xi32>
    %min3A_246 = arith.minsi %add3A_242, %min3A_245 : vector<16xi32>
    %add3A_247 = arith.addi %broadcast_in_dim3A_244, %min3A_246 : vector<16xi32>
    %min3A_248 = vector.broadcast %squeeze3A_8 : i32 to vector<16xi32>
    %min3A_249 = arith.minsi %add3A_242, %min3A_248 : vector<16xi32>
    %add3A_250 = arith.addi %add3A_247, %min3A_249 : vector<16xi32>
    %min3A_251 = vector.broadcast %squeeze3A_10 : i32 to vector<16xi32>
    %min3A_252 = arith.minsi %add3A_242, %min3A_251 : vector<16xi32>
    %add3A_253 = arith.addi %add3A_250, %min3A_252 : vector<16xi32>
    %min3A_254 = vector.broadcast %squeeze3A_12 : i32 to vector<16xi32>
    %min3A_255 = arith.minsi %add3A_242, %min3A_254 : vector<16xi32>
    %add3A_256 = arith.addi %add3A_253, %min3A_255 : vector<16xi32>
    %min3A_257 = vector.broadcast %squeeze3A_14 : i32 to vector<16xi32>
    %min3A_258 = arith.minsi %add3A_242, %min3A_257 : vector<16xi32>
    %add3A_259 = arith.addi %add3A_256, %min3A_258 : vector<16xi32>
    %min3A_260 = vector.broadcast %squeeze3A_16 : i32 to vector<16xi32>
    %min3A_261 = arith.minsi %add3A_242, %min3A_260 : vector<16xi32>
    %add3A_262 = arith.addi %add3A_259, %min3A_261 : vector<16xi32>
    %min3A_263 = vector.broadcast %squeeze3A_18 : i32 to vector<16xi32>
    %min3A_264 = arith.minsi %add3A_242, %min3A_263 : vector<16xi32>
    %add3A_265 = arith.addi %add3A_262, %min3A_264 : vector<16xi32>
    %min3A_266 = vector.broadcast %squeeze3A_20 : i32 to vector<16xi32>
    %min3A_267 = arith.minsi %add3A_242, %min3A_266 : vector<16xi32>
    %add3A_268 = arith.addi %add3A_265, %min3A_267 : vector<16xi32>
    %add3A_269 = vector.broadcast %select_n3A_189 : i32 to vector<16xi32>
    %add3A_270 = arith.addi %add3A_268, %add3A_269 : vector<16xi32>
    %min3A_271 = arith.constant 8191 : i32
    %min3A_272 = vector.broadcast %min3A_271 : i32 to vector<16xi32>
    %min3A_273 = arith.minsi %add3A_270, %min3A_272 : vector<16xi32>
    %swap3A_274 = arith.constant 32 : index
    %swap3A_275 = tpu.vector_load %arg5[%swap3A_274] {strides = array<i32>} : memref<512xi32, #tpu.memory_space<vmem>>, vector<16xi32>,
    %swap3A_276 = vector.shape_cast %swap3A_275 : vector<16xi32> to vector<16xi32>
    %swap3A_277 = vector.shape_cast %min3A_273 : vector<16xi32> to vector<16xi32>
    tpu.vector_store %arg5[%swap3A_274], %swap3A_277 {strides = array<i32>} : memref<512xi32, #tpu.memory_space<vmem>>, vector<16xi32>,
    %add3A_278 = arith.constant 16 : i32
    %add3A_279 = arith.addi %mul3A_207, %add3A_278 : i32
    %add3A_280 = vector.broadcast %add3A_279 : i32 to vector<16xi32>
    %add3A_281 = arith.addi %add3A_280, %iota3A : vector<16xi32>
    %broadcast_in_dim3A_282 = arith.constant 0 : i32
    %broadcast_in_dim3A_283 = vector.broadcast %broadcast_in_dim3A_282 : i32 to vector<16xi32>
    %min3A_284 = vector.broadcast %squeeze3A : i32 to vector<16xi32>
    %min3A_285 = arith.minsi %add3A_281, %min3A_284 : vector<16xi32>
    %add3A_286 = arith.addi %broadcast_in_dim3A_283, %min3A_285 : vector<16xi32>
    %min3A_287 = vector.broadcast %squeeze3A_8 : i32 to vector<16xi32>
    %min3A_288 = arith.minsi %add3A_281, %min3A_287 : vector<16xi32>
    %add3A_289 = arith.addi %add3A_286, %min3A_288 : vector<16xi32>
    %min3A_290 = vector.broadcast %squeeze3A_10 : i32 to vector<16xi32>
    %min3A_291 = arith.minsi %add3A_281, %min3A_290 : vector<16xi32>
    %add3A_292 = arith.addi %add3A_289, %min3A_291 : vector<16xi32>
    %min3A_293 = vector.broadcast %squeeze3A_12 : i32 to vector<16xi32>
    %min3A_294 = arith.minsi %add3A_281, %min3A_293 : vector<16xi32>
    %add3A_295 = arith.addi %add3A_292, %min3A_294 : vector<16xi32>
    %min3A_296 = vector.broadcast %squeeze3A_14 : i32 to vector<16xi32>
    %min3A_297 = arith.minsi %add3A_281, %min3A_296 : vector<16xi32>
    %add3A_298 = arith.addi %add3A_295, %min3A_297 : vector<16xi32>
    %min3A_299 = vector.broadcast %squeeze3A_16 : i32 to vector<16xi32>
    %min3A_300 = arith.minsi %add3A_281, %min3A_299 : vector<16xi32>
    %add3A_301 = arith.addi %add3A_298, %min3A_300 : vector<16xi32>
    %min3A_302 = vector.broadcast %squeeze3A_18 : i32 to vector<16xi32>
    %min3A_303 = arith.minsi %add3A_281, %min3A_302 : vector<16xi32>
    %add3A_304 = arith.addi %add3A_301, %min3A_303 : vector<16xi32>
    %min3A_305 = vector.broadcast %squeeze3A_20 : i32 to vector<16xi32>
    %min3A_306 = arith.minsi %add3A_281, %min3A_305 : vector<16xi32>
    %add3A_307 = arith.addi %add3A_304, %min3A_306 : vector<16xi32>
    %add3A_308 = vector.broadcast %select_n3A_189 : i32 to vector<16xi32>
    %add3A_309 = arith.addi %add3A_307, %add3A_308 : vector<16xi32>
    %min3A_310 = arith.constant 8191 : i32
    %min3A_311 = vector.broadcast %min3A_310 : i32 to vector<16xi32>
    %min3A_312 = arith.minsi %add3A_309, %min3A_311 : vector<16xi32>
    %swap3A_313 = arith.constant 48 : index
    %swap3A_314 = tpu.vector_load %arg5[%swap3A_313] {strides = array<i32>} : memref<512xi32, #tpu.memory_space<vmem>>, vector<16xi32>,
    %swap3A_315 = vector.shape_cast %swap3A_314 : vector<16xi32> to vector<16xi32>
    %swap3A_316 = vector.shape_cast %min3A_312 : vector<16xi32> to vector<16xi32>
    tpu.vector_store %arg5[%swap3A_313], %swap3A_316 {strides = array<i32>} : memref<512xi32, #tpu.memory_space<vmem>>, vector<16xi32>,
    %gt3A_317 = arith.constant 0 : i32
    %gt3A_318 = arith.cmpi sgt, %min3A_238, %gt3A_317 : i32
    %convert_element_type3A_319 = arith.extui %gt3A_318 : i1 to i32
    %cond3A_320 = arith.constant 0 : i32
    %cond3A_321 = arith.cmpi ne, %convert_element_type3A_319, %cond3A_320 : i32
    scf.if %cond3A_321 {
      %dma_start3A = arith.constant 32 : i32
      %dma_start3A_520 = tpu.memref_slice %arg5[%dma_start3A] : memref<512xi32, #tpu.memory_space<vmem>> -> memref<32xi32, #tpu.memory_space<vmem>>
      %dma_start3A_521 = arith.constant 0 : i32
      %dma_start3A_522 = arith.constant 0 : i32
      %dma_start3A_523 = tpu.memref_slice %arg2[%dma_start3A_521, %dma_start3A_522] : memref<8192x1024xf32, #tpu.memory_space<hbm>> -> memref<8192x1024xf32, #tpu.memory_space<hbm>>
      tpu.enqueue_indirect_dma source(%dma_start3A_523 : memref<8192x1024xf32, #tpu.memory_space<hbm>>) target(%arg8 : memref<32x1024xf32, #tpu.memory_space<vmem>>) offsets(%dma_start3A_520 : memref<32xi32, #tpu.memory_space<vmem>>) semaphore(%arg12 : memref<!tpu.dma_semaphore, #tpu.memory_space<semaphore_mem>>)
    } else {
    }
    %add3A_322 = arith.constant 64 : i32
    %add3A_323 = arith.addi %add3A, %add3A_322 : i32
    %jit3A_324 = arith.constant 64 : i32
    %div3A_325 = arith.divsi %add3A_323, %jit3A_324 : i32
    %sign3A_326 = arith.constant 0 : i32
    %sign3A_327 = arith.cmpi sgt, %add3A_323, %sign3A_326 : i32
    %sign3A_328 = arith.extui %sign3A_327 : i1 to i32
    %sign3A_329 = arith.constant 0 : i32
    %sign3A_330 = arith.cmpi slt, %add3A_323, %sign3A_329 : i32
    %sign3A_331 = arith.extui %sign3A_330 : i1 to i32
    %sign3A_332 = arith.subi %sign3A_328, %sign3A_331 : i32
    %sign3A_333 = arith.constant 0 : i32
    %sign3A_334 = arith.cmpi sgt, %jit3A_324, %sign3A_333 : i32
    %sign3A_335 = arith.extui %sign3A_334 : i1 to i32
    %sign3A_336 = arith.constant 0 : i32
    %sign3A_337 = arith.cmpi slt, %jit3A_324, %sign3A_336 : i32
    %sign3A_338 = arith.extui %sign3A_337 : i1 to i32
    %sign3A_339 = arith.subi %sign3A_335, %sign3A_338 : i32
    %ne3A_340 = arith.cmpi ne, %sign3A_332, %sign3A_339 : i32
    %rem3A_341 = arith.remsi %add3A_323, %jit3A_324 : i32
    %ne3A_342 = arith.constant 0 : i32
    %ne3A_343 = arith.cmpi ne, %rem3A_341, %ne3A_342 : i32
    %and3A_344 = arith.andi %ne3A_340, %ne3A_343 : i1
    %sub3A_345 = arith.constant 1 : i32
    %sub3A_346 = arith.subi %div3A_325, %sub3A_345 : i32
    %select_n3A_347 = arith.select %and3A_344, %sub3A_346, %div3A_325 : i32
    %jit3A_348 = arith.constant 64 : i32
    %eq3A_349 = arith.constant 0 : i32
    %eq3A_350 = arith.cmpi eq, %jit3A_348, %eq3A_349 : i32
    %jit3A_351 = arith.constant 1 : i32
    %select_n3A_352 = arith.select %eq3A_350, %jit3A_351, %jit3A_348 : i32
    %rem3A_353 = arith.remsi %add3A_323, %select_n3A_352 : i32
    %ne3A_354 = arith.constant 0 : i32
    %ne3A_355 = arith.cmpi ne, %rem3A_353, %ne3A_354 : i32
    %lt3A_356 = arith.constant 0 : i32
    %lt3A_357 = arith.cmpi slt, %rem3A_353, %lt3A_356 : i32
    %lt3A_358 = arith.constant 0 : i32
    %lt3A_359 = arith.cmpi slt, %select_n3A_352, %lt3A_358 : i32
    %ne3A_360 = arith.xori %lt3A_357, %lt3A_359 : i1
    %and3A_361 = arith.andi %ne3A_360, %ne3A_355 : i1
    %add3A_362 = arith.addi %rem3A_353, %select_n3A_352 : i32
    %select_n3A_363 = arith.select %and3A_361, %add3A_362, %rem3A_353 : i32
    %mul3A_364 = arith.constant 32 : i32
    %mul3A_365 = arith.muli %select_n3A_363, %mul3A_364 : i32
    %mul3A_366 = arith.constant 0 : i32
    %mul3A_367 = arith.muli %squeeze3A, %mul3A_366 : i32
    %eq3A_368 = arith.constant 0 : i32
    %eq3A_369 = arith.cmpi eq, %select_n3A_347, %eq3A_368 : i32
    %select_n3A_370 = arith.select %eq3A_369, %squeeze3A, %mul3A_367 : i32
    %eq3A_371 = arith.constant 1 : i32
    %eq3A_372 = arith.cmpi eq, %select_n3A_347, %eq3A_371 : i32
    %select_n3A_373 = arith.select %eq3A_372, %squeeze3A_8, %select_n3A_370 : i32
    %eq3A_374 = arith.constant 2 : i32
    %eq3A_375 = arith.cmpi eq, %select_n3A_347, %eq3A_374 : i32
    %select_n3A_376 = arith.select %eq3A_375, %squeeze3A_10, %select_n3A_373 : i32
    %eq3A_377 = arith.constant 3 : i32
    %eq3A_378 = arith.cmpi eq, %select_n3A_347, %eq3A_377 : i32
    %select_n3A_379 = arith.select %eq3A_378, %squeeze3A_12, %select_n3A_376 : i32
    %eq3A_380 = arith.constant 4 : i32
    %eq3A_381 = arith.cmpi eq, %select_n3A_347, %eq3A_380 : i32
    %select_n3A_382 = arith.select %eq3A_381, %squeeze3A_14, %select_n3A_379 : i32
    %eq3A_383 = arith.constant 5 : i32
    %eq3A_384 = arith.cmpi eq, %select_n3A_347, %eq3A_383 : i32
    %select_n3A_385 = arith.select %eq3A_384, %squeeze3A_16, %select_n3A_382 : i32
    %eq3A_386 = arith.constant 6 : i32
    %eq3A_387 = arith.cmpi eq, %select_n3A_347, %eq3A_386 : i32
    %select_n3A_388 = arith.select %eq3A_387, %squeeze3A_18, %select_n3A_385 : i32
    %eq3A_389 = arith.constant 7 : i32
    %eq3A_390 = arith.cmpi eq, %select_n3A_347, %eq3A_389 : i32
    %select_n3A_391 = arith.select %eq3A_390, %squeeze3A_20, %select_n3A_388 : i32
    %sub3A_392 = arith.subi %select_n3A_391, %mul3A_365 : i32
    %jit3A_393 = arith.constant 0 : i32
    %jit3A_394 = arith.constant 32 : i32
    %max3A_395 = arith.maxsi %jit3A_393, %sub3A_392 : i32
    %min3A_396 = arith.minsi %jit3A_394, %max3A_395 : i32
    %add3A_397 = arith.constant 0 : i32
    %add3A_398 = arith.addi %mul3A_365, %add3A_397 : i32
    %add3A_399 = vector.broadcast %add3A_398 : i32 to vector<16xi32>
    %add3A_400 = arith.addi %add3A_399, %iota3A : vector<16xi32>
    %broadcast_in_dim3A_401 = arith.constant 0 : i32
    %broadcast_in_dim3A_402 = vector.broadcast %broadcast_in_dim3A_401 : i32 to vector<16xi32>
    %min3A_403 = vector.broadcast %squeeze3A : i32 to vector<16xi32>
    %min3A_404 = arith.minsi %add3A_400, %min3A_403 : vector<16xi32>
    %add3A_405 = arith.addi %broadcast_in_dim3A_402, %min3A_404 : vector<16xi32>
    %min3A_406 = vector.broadcast %squeeze3A_8 : i32 to vector<16xi32>
    %min3A_407 = arith.minsi %add3A_400, %min3A_406 : vector<16xi32>
    %add3A_408 = arith.addi %add3A_405, %min3A_407 : vector<16xi32>
    %min3A_409 = vector.broadcast %squeeze3A_10 : i32 to vector<16xi32>
    %min3A_410 = arith.minsi %add3A_400, %min3A_409 : vector<16xi32>
    %add3A_411 = arith.addi %add3A_408, %min3A_410 : vector<16xi32>
    %min3A_412 = vector.broadcast %squeeze3A_12 : i32 to vector<16xi32>
    %min3A_413 = arith.minsi %add3A_400, %min3A_412 : vector<16xi32>
    %add3A_414 = arith.addi %add3A_411, %min3A_413 : vector<16xi32>
    %min3A_415 = vector.broadcast %squeeze3A_14 : i32 to vector<16xi32>
    %min3A_416 = arith.minsi %add3A_400, %min3A_415 : vector<16xi32>
    %add3A_417 = arith.addi %add3A_414, %min3A_416 : vector<16xi32>
    %min3A_418 = vector.broadcast %squeeze3A_16 : i32 to vector<16xi32>
    %min3A_419 = arith.minsi %add3A_400, %min3A_418 : vector<16xi32>
    %add3A_420 = arith.addi %add3A_417, %min3A_419 : vector<16xi32>
    %min3A_421 = vector.broadcast %squeeze3A_18 : i32 to vector<16xi32>
    %min3A_422 = arith.minsi %add3A_400, %min3A_421 : vector<16xi32>
    %add3A_423 = arith.addi %add3A_420, %min3A_422 : vector<16xi32>
    %min3A_424 = vector.broadcast %squeeze3A_20 : i32 to vector<16xi32>
    %min3A_425 = arith.minsi %add3A_400, %min3A_424 : vector<16xi32>
    %add3A_426 = arith.addi %add3A_423, %min3A_425 : vector<16xi32>
    %add3A_427 = vector.broadcast %select_n3A_347 : i32 to vector<16xi32>
    %add3A_428 = arith.addi %add3A_426, %add3A_427 : vector<16xi32>
    %min3A_429 = arith.constant 8191 : i32
    %min3A_430 = vector.broadcast %min3A_429 : i32 to vector<16xi32>
    %min3A_431 = arith.minsi %add3A_428, %min3A_430 : vector<16xi32>
    %swap3A_432 = arith.constant 64 : index
    %swap3A_433 = tpu.vector_load %arg5[%swap3A_432] {strides = array<i32>} : memref<512xi32, #tpu.memory_space<vmem>>, vector<16xi32>,
    %swap3A_434 = vector.shape_cast %swap3A_433 : vector<16xi32> to vector<16xi32>
    %swap3A_435 = vector.shape_cast %min3A_431 : vector<16xi32> to vector<16xi32>
    tpu.vector_store %arg5[%swap3A_432], %swap3A_435 {strides = array<i32>} : memref<512xi32, #tpu.memory_space<vmem>>, vector<16xi32>,
    %add3A_436 = arith.constant 16 : i32
    %add3A_437 = arith.addi %mul3A_365, %add3A_436 : i32
    %add3A_438 = vector.broadcast %add3A_437 : i32 to vector<16xi32>
    %add3A_439 = arith.addi %add3A_438, %iota3A : vector<16xi32>
    %broadcast_in_dim3A_440 = arith.constant 0 : i32
    %broadcast_in_dim3A_441 = vector.broadcast %broadcast_in_dim3A_440 : i32 to vector<16xi32>
    %min3A_442 = vector.broadcast %squeeze3A : i32 to vector<16xi32>
    %min3A_443 = arith.minsi %add3A_439, %min3A_442 : vector<16xi32>
    %add3A_444 = arith.addi %broadcast_in_dim3A_441, %min3A_443 : vector<16xi32>
    %min3A_445 = vector.broadcast %squeeze3A_8 : i32 to vector<16xi32>
    %min3A_446 = arith.minsi %add3A_439, %min3A_445 : vector<16xi32>
    %add3A_447 = arith.addi %add3A_444, %min3A_446 : vector<16xi32>
    %min3A_448 = vector.broadcast %squeeze3A_10 : i32 to vector<16xi32>
    %min3A_449 = arith.minsi %add3A_439, %min3A_448 : vector<16xi32>
    %add3A_450 = arith.addi %add3A_447, %min3A_449 : vector<16xi32>
    %min3A_451 = vector.broadcast %squeeze3A_12 : i32 to vector<16xi32>
    %min3A_452 = arith.minsi %add3A_439, %min3A_451 : vector<16xi32>
    %add3A_453 = arith.addi %add3A_450, %min3A_452 : vector<16xi32>
    %min3A_454 = vector.broadcast %squeeze3A_14 : i32 to vector<16xi32>
    %min3A_455 = arith.minsi %add3A_439, %min3A_454 : vector<16xi32>
    %add3A_456 = arith.addi %add3A_453, %min3A_455 : vector<16xi32>
    %min3A_457 = vector.broadcast %squeeze3A_16 : i32 to vector<16xi32>
    %min3A_458 = arith.minsi %add3A_439, %min3A_457 : vector<16xi32>
    %add3A_459 = arith.addi %add3A_456, %min3A_458 : vector<16xi32>
    %min3A_460 = vector.broadcast %squeeze3A_18 : i32 to vector<16xi32>
    %min3A_461 = arith.minsi %add3A_439, %min3A_460 : vector<16xi32>
    %add3A_462 = arith.addi %add3A_459, %min3A_461 : vector<16xi32>
    %min3A_463 = vector.broadcast %squeeze3A_20 : i32 to vector<16xi32>
    %min3A_464 = arith.minsi %add3A_439, %min3A_463 : vector<16xi32>
    %add3A_465 = arith.addi %add3A_462, %min3A_464 : vector<16xi32>
    %add3A_466 = vector.broadcast %select_n3A_347 : i32 to vector<16xi32>
    %add3A_467 = arith.addi %add3A_465, %add3A_466 : vector<16xi32>
    %min3A_468 = arith.constant 8191 : i32
    %min3A_469 = vector.broadcast %min3A_468 : i32 to vector<16xi32>
    %min3A_470 = arith.minsi %add3A_467, %min3A_469 : vector<16xi32>
    %swap3A_471 = arith.constant 80 : index
    %swap3A_472 = tpu.vector_load %arg5[%swap3A_471] {strides = array<i32>} : memref<512xi32, #tpu.memory_space<vmem>>, vector<16xi32>,
    %swap3A_473 = vector.shape_cast %swap3A_472 : vector<16xi32> to vector<16xi32>
    %swap3A_474 = vector.shape_cast %min3A_470 : vector<16xi32> to vector<16xi32>
    tpu.vector_store %arg5[%swap3A_471], %swap3A_474 {strides = array<i32>} : memref<512xi32, #tpu.memory_space<vmem>>, vector<16xi32>,
    %gt3A_475 = arith.constant 0 : i32
    %gt3A_476 = arith.cmpi sgt, %min3A_396, %gt3A_475 : i32
    %convert_element_type3A_477 = arith.extui %gt3A_476 : i1 to i32
    %cond3A_478 = arith.constant 0 : i32
    %cond3A_479 = arith.cmpi ne, %convert_element_type3A_477, %cond3A_478 : i32
    scf.if %cond3A_479 {
      %dma_start3A = arith.constant 64 : i32
      %dma_start3A_520 = tpu.memref_slice %arg5[%dma_start3A] : memref<512xi32, #tpu.memory_space<vmem>> -> memref<32xi32, #tpu.memory_space<vmem>>
      %dma_start3A_521 = arith.constant 0 : i32
      %dma_start3A_522 = arith.constant 0 : i32
      %dma_start3A_523 = tpu.memref_slice %arg2[%dma_start3A_521, %dma_start3A_522] : memref<8192x1024xf32, #tpu.memory_space<hbm>> -> memref<8192x1024xf32, #tpu.memory_space<hbm>>
      tpu.enqueue_indirect_dma source(%dma_start3A_523 : memref<8192x1024xf32, #tpu.memory_space<hbm>>) target(%arg9 : memref<32x1024xf32, #tpu.memory_space<vmem>>) offsets(%dma_start3A_520 : memref<32xi32, #tpu.memory_space<vmem>>) semaphore(%arg13 : memref<!tpu.dma_semaphore, #tpu.memory_space<semaphore_mem>>)
    } else {
    }
    %scan3A = arith.constant 0 : i32
    %scan3A_480 = arith.constant 0 : i32
    %scan3A_481 = arith.constant 16 : i32
    %scan3A_482 = arith.addi %scan3A_480, %scan3A_481 : i32
    %scan3A_483 = arith.constant 1 : i32
    scf.for %scan3A_520 = %scan3A_480 to %scan3A_482 step %scan3A_483  : i32 {
      %scan3A_521 = arith.constant 0 : i32
      %scan3A_522 = arith.constant 64 : i32
      %scan3A_523 = arith.addi %scan3A_521, %scan3A_522 : i32
      %scan3A_524 = arith.constant 1 : i32
      scf.for %scan3A_526 = %scan3A_521 to %scan3A_523 step %scan3A_524  : i32 {
        %broadcast_in_dim3A_527 = arith.constant 0.000000e+00 : f32
        %broadcast_in_dim3A_528 = vector.broadcast %broadcast_in_dim3A_527 : f32 to vector<16xf32>
        %mul3A_529 = arith.constant 16 : i32
        %mul3A_530 = arith.muli %scan3A_526, %mul3A_529 : i32
        %swap3A_531 = arith.index_cast %scan3A_520 : i32 to index
        %swap3A_532 = arith.index_cast %mul3A_530 : i32 to index
        %swap3A_533 = tpu.vector_load %arg10[%swap3A_531, %swap3A_532] {strides = array<i32>} : memref<16x1024xf32, #tpu.memory_space<vmem>>, vector<1x16xf32>,
        %swap3A_534 = vector.shape_cast %swap3A_533 : vector<1x16xf32> to vector<16xf32>
        %swap3A_535 = vector.shape_cast %broadcast_in_dim3A_528 : vector<16xf32> to vector<1x16xf32>
        tpu.vector_store %arg10[%swap3A_531, %swap3A_532], %swap3A_535 {strides = array<i32>} : memref<16x1024xf32, #tpu.memory_space<vmem>>, vector<1x16xf32>,
      }
      %scan3A_525 = arith.constant 64 : i32
    }
    %scan3A_484 = arith.constant 16 : i32
    %scan3A_485 = arith.constant 0 : i32
    %scan3A_486 = arith.constant 3 : i32
    %scan3A_487 = arith.constant 13 : i32
    %scan3A_488 = arith.addi %scan3A_486, %scan3A_487 : i32
    %scan3A_489 = arith.constant 1 : i32
    scf.for %scan3A_520 = %scan3A_486 to %scan3A_488 step %scan3A_489  : i32 {
      %mul3A_521 = arith.constant 32 : i32
      %mul3A_522 = arith.muli %scan3A_520, %mul3A_521 : i32
      %add3A_523 = arith.addi %add3A, %mul3A_522 : i32
      %jit3A_524 = arith.constant 64 : i32
      %div3A_525 = arith.divsi %add3A_523, %jit3A_524 : i32
      %sign3A_526 = arith.constant 0 : i32
      %sign3A_527 = arith.cmpi sgt, %add3A_523, %sign3A_526 : i32
      %sign3A_528 = arith.extui %sign3A_527 : i1 to i32
      %sign3A_529 = arith.constant 0 : i32
      %sign3A_530 = arith.cmpi slt, %add3A_523, %sign3A_529 : i32
      %sign3A_531 = arith.extui %sign3A_530 : i1 to i32
      %sign3A_532 = arith.subi %sign3A_528, %sign3A_531 : i32
      %sign3A_533 = arith.constant 0 : i32
      %sign3A_534 = arith.cmpi sgt, %jit3A_524, %sign3A_533 : i32
      %sign3A_535 = arith.extui %sign3A_534 : i1 to i32
      %sign3A_536 = arith.constant 0 : i32
      %sign3A_537 = arith.cmpi slt, %jit3A_524, %sign3A_536 : i32
      %sign3A_538 = arith.extui %sign3A_537 : i1 to i32
      %sign3A_539 = arith.subi %sign3A_535, %sign3A_538 : i32
      %ne3A_540 = arith.cmpi ne, %sign3A_532, %sign3A_539 : i32
      %rem3A_541 = arith.remsi %add3A_523, %jit3A_524 : i32
      %ne3A_542 = arith.constant 0 : i32
      %ne3A_543 = arith.cmpi ne, %rem3A_541, %ne3A_542 : i32
      %and3A_544 = arith.andi %ne3A_540, %ne3A_543 : i1
      %sub3A_545 = arith.constant 1 : i32
      %sub3A_546 = arith.subi %div3A_525, %sub3A_545 : i32
      %select_n3A_547 = arith.select %and3A_544, %sub3A_546, %div3A_525 : i32
      %jit3A_548 = arith.constant 64 : i32
      %eq3A_549 = arith.constant 0 : i32
      %eq3A_550 = arith.cmpi eq, %jit3A_548, %eq3A_549 : i32
      %jit3A_551 = arith.constant 1 : i32
      %select_n3A_552 = arith.select %eq3A_550, %jit3A_551, %jit3A_548 : i32
      %rem3A_553 = arith.remsi %add3A_523, %select_n3A_552 : i32
      %ne3A_554 = arith.constant 0 : i32
      %ne3A_555 = arith.cmpi ne, %rem3A_553, %ne3A_554 : i32
      %lt3A_556 = arith.constant 0 : i32
      %lt3A_557 = arith.cmpi slt, %rem3A_553, %lt3A_556 : i32
      %lt3A_558 = arith.constant 0 : i32
      %lt3A_559 = arith.cmpi slt, %select_n3A_552, %lt3A_558 : i32
      %ne3A_560 = arith.xori %lt3A_557, %lt3A_559 : i1
      %and3A_561 = arith.andi %ne3A_560, %ne3A_555 : i1
      %add3A_562 = arith.addi %rem3A_553, %select_n3A_552 : i32
      %select_n3A_563 = arith.select %and3A_561, %add3A_562, %rem3A_553 : i32
      %mul3A_564 = arith.constant 32 : i32
      %mul3A_565 = arith.muli %select_n3A_563, %mul3A_564 : i32
      %mul3A_566 = arith.constant 0 : i32
      %mul3A_567 = arith.muli %squeeze3A, %mul3A_566 : i32
      %eq3A_568 = arith.constant 0 : i32
      %eq3A_569 = arith.cmpi eq, %select_n3A_547, %eq3A_568 : i32
      %select_n3A_570 = arith.select %eq3A_569, %squeeze3A, %mul3A_567 : i32
      %eq3A_571 = arith.constant 1 : i32
      %eq3A_572 = arith.cmpi eq, %select_n3A_547, %eq3A_571 : i32
      %select_n3A_573 = arith.select %eq3A_572, %squeeze3A_8, %select_n3A_570 : i32
      %eq3A_574 = arith.constant 2 : i32
      %eq3A_575 = arith.cmpi eq, %select_n3A_547, %eq3A_574 : i32
      %select_n3A_576 = arith.select %eq3A_575, %squeeze3A_10, %select_n3A_573 : i32
      %eq3A_577 = arith.constant 3 : i32
      %eq3A_578 = arith.cmpi eq, %select_n3A_547, %eq3A_577 : i32
      %select_n3A_579 = arith.select %eq3A_578, %squeeze3A_12, %select_n3A_576 : i32
      %eq3A_580 = arith.constant 4 : i32
      %eq3A_581 = arith.cmpi eq, %select_n3A_547, %eq3A_580 : i32
      %select_n3A_582 = arith.select %eq3A_581, %squeeze3A_14, %select_n3A_579 : i32
      %eq3A_583 = arith.constant 5 : i32
      %eq3A_584 = arith.cmpi eq, %select_n3A_547, %eq3A_583 : i32
      %select_n3A_585 = arith.select %eq3A_584, %squeeze3A_16, %select_n3A_582 : i32
      %eq3A_586 = arith.constant 6 : i32
      %eq3A_587 = arith.cmpi eq, %select_n3A_547, %eq3A_586 : i32
      %select_n3A_588 = arith.select %eq3A_587, %squeeze3A_18, %select_n3A_585 : i32
      %eq3A_589 = arith.constant 7 : i32
      %eq3A_590 = arith.cmpi eq, %select_n3A_547, %eq3A_589 : i32
      %select_n3A_591 = arith.select %eq3A_590, %squeeze3A_20, %select_n3A_588 : i32
      %sub3A_592 = arith.subi %select_n3A_591, %mul3A_565 : i32
      %jit3A_593 = arith.constant 0 : i32
      %jit3A_594 = arith.constant 32 : i32
      %max3A_595 = arith.maxsi %jit3A_593, %sub3A_592 : i32
      %min3A_596 = arith.minsi %jit3A_594, %max3A_595 : i32
      %add3A_597 = arith.constant 0 : i32
      %add3A_598 = arith.addi %mul3A_565, %add3A_597 : i32
      %add3A_599 = vector.broadcast %add3A_598 : i32 to vector<16xi32>
      %add3A_600 = arith.addi %add3A_599, %iota3A : vector<16xi32>
      %broadcast_in_dim3A_601 = arith.constant 0 : i32
      %broadcast_in_dim3A_602 = vector.broadcast %broadcast_in_dim3A_601 : i32 to vector<16xi32>
      %min3A_603 = vector.broadcast %squeeze3A : i32 to vector<16xi32>
      %min3A_604 = arith.minsi %add3A_600, %min3A_603 : vector<16xi32>
      %add3A_605 = arith.addi %broadcast_in_dim3A_602, %min3A_604 : vector<16xi32>
      %min3A_606 = vector.broadcast %squeeze3A_8 : i32 to vector<16xi32>
      %min3A_607 = arith.minsi %add3A_600, %min3A_606 : vector<16xi32>
      %add3A_608 = arith.addi %add3A_605, %min3A_607 : vector<16xi32>
      %min3A_609 = vector.broadcast %squeeze3A_10 : i32 to vector<16xi32>
      %min3A_610 = arith.minsi %add3A_600, %min3A_609 : vector<16xi32>
      %add3A_611 = arith.addi %add3A_608, %min3A_610 : vector<16xi32>
      %min3A_612 = vector.broadcast %squeeze3A_12 : i32 to vector<16xi32>
      %min3A_613 = arith.minsi %add3A_600, %min3A_612 : vector<16xi32>
      %add3A_614 = arith.addi %add3A_611, %min3A_613 : vector<16xi32>
      %min3A_615 = vector.broadcast %squeeze3A_14 : i32 to vector<16xi32>
      %min3A_616 = arith.minsi %add3A_600, %min3A_615 : vector<16xi32>
      %add3A_617 = arith.addi %add3A_614, %min3A_616 : vector<16xi32>
      %min3A_618 = vector.broadcast %squeeze3A_16 : i32 to vector<16xi32>
      %min3A_619 = arith.minsi %add3A_600, %min3A_618 : vector<16xi32>
      %add3A_620 = arith.addi %add3A_617, %min3A_619 : vector<16xi32>
      %min3A_621 = vector.broadcast %squeeze3A_18 : i32 to vector<16xi32>
      %min3A_622 = arith.minsi %add3A_600, %min3A_621 : vector<16xi32>
      %add3A_623 = arith.addi %add3A_620, %min3A_622 : vector<16xi32>
      %min3A_624 = vector.broadcast %squeeze3A_20 : i32 to vector<16xi32>
      %min3A_625 = arith.minsi %add3A_600, %min3A_624 : vector<16xi32>
      %add3A_626 = arith.addi %add3A_623, %min3A_625 : vector<16xi32>
      %add3A_627 = vector.broadcast %select_n3A_547 : i32 to vector<16xi32>
      %add3A_628 = arith.addi %add3A_626, %add3A_627 : vector<16xi32>
      %min3A_629 = arith.constant 8191 : i32
      %min3A_630 = vector.broadcast %min3A_629 : i32 to vector<16xi32>
      %min3A_631 = arith.minsi %add3A_628, %min3A_630 : vector<16xi32>
      %mul3A_632 = arith.constant 32 : i32
      %mul3A_633 = arith.muli %scan3A_520, %mul3A_632 : i32
      %add3A_634 = arith.constant 0 : i32
      %add3A_635 = arith.addi %mul3A_633, %add3A_634 : i32
      %swap3A_636 = arith.index_cast %add3A_635 : i32 to index
      %swap3A_637 = tpu.vector_load %arg5[%swap3A_636] {strides = array<i32>} : memref<512xi32, #tpu.memory_space<vmem>>, vector<16xi32>,
      %swap3A_638 = vector.shape_cast %swap3A_637 : vector<16xi32> to vector<16xi32>
      %swap3A_639 = vector.shape_cast %min3A_631 : vector<16xi32> to vector<16xi32>
      tpu.vector_store %arg5[%swap3A_636], %swap3A_639 {strides = array<i32>} : memref<512xi32, #tpu.memory_space<vmem>>, vector<16xi32>,
      %add3A_640 = arith.constant 16 : i32
      %add3A_641 = arith.addi %mul3A_565, %add3A_640 : i32
      %add3A_642 = vector.broadcast %add3A_641 : i32 to vector<16xi32>
      %add3A_643 = arith.addi %add3A_642, %iota3A : vector<16xi32>
      %broadcast_in_dim3A_644 = arith.constant 0 : i32
      %broadcast_in_dim3A_645 = vector.broadcast %broadcast_in_dim3A_644 : i32 to vector<16xi32>
      %min3A_646 = vector.broadcast %squeeze3A : i32 to vector<16xi32>
      %min3A_647 = arith.minsi %add3A_643, %min3A_646 : vector<16xi32>
      %add3A_648 = arith.addi %broadcast_in_dim3A_645, %min3A_647 : vector<16xi32>
      %min3A_649 = vector.broadcast %squeeze3A_8 : i32 to vector<16xi32>
      %min3A_650 = arith.minsi %add3A_643, %min3A_649 : vector<16xi32>
      %add3A_651 = arith.addi %add3A_648, %min3A_650 : vector<16xi32>
      %min3A_652 = vector.broadcast %squeeze3A_10 : i32 to vector<16xi32>
      %min3A_653 = arith.minsi %add3A_643, %min3A_652 : vector<16xi32>
      %add3A_654 = arith.addi %add3A_651, %min3A_653 : vector<16xi32>
      %min3A_655 = vector.broadcast %squeeze3A_12 : i32 to vector<16xi32>
      %min3A_656 = arith.minsi %add3A_643, %min3A_655 : vector<16xi32>
      %add3A_657 = arith.addi %add3A_654, %min3A_656 : vector<16xi32>
      %min3A_658 = vector.broadcast %squeeze3A_14 : i32 to vector<16xi32>
      %min3A_659 = arith.minsi %add3A_643, %min3A_658 : vector<16xi32>
      %add3A_660 = arith.addi %add3A_657, %min3A_659 : vector<16xi32>
      %min3A_661 = vector.broadcast %squeeze3A_16 : i32 to vector<16xi32>
      %min3A_662 = arith.minsi %add3A_643, %min3A_661 : vector<16xi32>
      %add3A_663 = arith.addi %add3A_660, %min3A_662 : vector<16xi32>
      %min3A_664 = vector.broadcast %squeeze3A_18 : i32 to vector<16xi32>
      %min3A_665 = arith.minsi %add3A_643, %min3A_664 : vector<16xi32>
      %add3A_666 = arith.addi %add3A_663, %min3A_665 : vector<16xi32>
      %min3A_667 = vector.broadcast %squeeze3A_20 : i32 to vector<16xi32>
      %min3A_668 = arith.minsi %add3A_643, %min3A_667 : vector<16xi32>
      %add3A_669 = arith.addi %add3A_666, %min3A_668 : vector<16xi32>
      %add3A_670 = vector.broadcast %select_n3A_547 : i32 to vector<16xi32>
      %add3A_671 = arith.addi %add3A_669, %add3A_670 : vector<16xi32>
      %min3A_672 = arith.constant 8191 : i32
      %min3A_673 = vector.broadcast %min3A_672 : i32 to vector<16xi32>
      %min3A_674 = arith.minsi %add3A_671, %min3A_673 : vector<16xi32>
      %mul3A_675 = arith.constant 32 : i32
      %mul3A_676 = arith.muli %scan3A_520, %mul3A_675 : i32
      %add3A_677 = arith.constant 16 : i32
      %add3A_678 = arith.addi %mul3A_676, %add3A_677 : i32
      %swap3A_679 = arith.index_cast %add3A_678 : i32 to index
      %swap3A_680 = tpu.vector_load %arg5[%swap3A_679] {strides = array<i32>} : memref<512xi32, #tpu.memory_space<vmem>>, vector<16xi32>,
      %swap3A_681 = vector.shape_cast %swap3A_680 : vector<16xi32> to vector<16xi32>
      %swap3A_682 = vector.shape_cast %min3A_674 : vector<16xi32> to vector<16xi32>
      tpu.vector_store %arg5[%swap3A_679], %swap3A_682 {strides = array<i32>} : memref<512xi32, #tpu.memory_space<vmem>>, vector<16xi32>,
    }
    %scan3A_490 = arith.constant 13 : i32
    %scan3A_491 = arith.constant 0 : i32
    %scan3A_492 = arith.constant 0 : i32
    %scan3A_493 = arith.constant 6 : i32
    %scan3A_494 = arith.addi %scan3A_492, %scan3A_493 : i32
    %scan3A_495 = arith.constant 1 : i32
    scf.for %scan3A_520 = %scan3A_492 to %scan3A_494 step %scan3A_495  : i32 {
      %mul3A_521 = arith.constant 3 : i32
      %mul3A_522 = arith.muli %scan3A_520, %mul3A_521 : i32
      %add3A_523 = arith.constant 0 : i32
      %add3A_524 = arith.addi %mul3A_522, %add3A_523 : i32
      %lt3A_525 = arith.constant 16 : i32
      %lt3A_526 = arith.cmpi slt, %add3A_524, %lt3A_525 : i32
      %convert_element_type3A_527 = arith.extui %lt3A_526 : i1 to i32
      %cond3A_528 = arith.constant 0 : i32
      %cond3A_529 = arith.cmpi ne, %convert_element_type3A_527, %cond3A_528 : i32
      scf.if %cond3A_529 {
        %mul3A_548 = arith.constant 32 : i32
        %mul3A_549 = arith.muli %add3A_524, %mul3A_548 : i32
        %add3A_550 = arith.addi %add3A, %mul3A_549 : i32
        %jit3A_551 = arith.constant 64 : i32
        %div3A_552 = arith.divsi %add3A_550, %jit3A_551 : i32
        %sign3A_553 = arith.constant 0 : i32
        %sign3A_554 = arith.cmpi sgt, %add3A_550, %sign3A_553 : i32
        %sign3A_555 = arith.extui %sign3A_554 : i1 to i32
        %sign3A_556 = arith.constant 0 : i32
        %sign3A_557 = arith.cmpi slt, %add3A_550, %sign3A_556 : i32
        %sign3A_558 = arith.extui %sign3A_557 : i1 to i32
        %sign3A_559 = arith.subi %sign3A_555, %sign3A_558 : i32
        %sign3A_560 = arith.constant 0 : i32
        %sign3A_561 = arith.cmpi sgt, %jit3A_551, %sign3A_560 : i32
        %sign3A_562 = arith.extui %sign3A_561 : i1 to i32
        %sign3A_563 = arith.constant 0 : i32
        %sign3A_564 = arith.cmpi slt, %jit3A_551, %sign3A_563 : i32
        %sign3A_565 = arith.extui %sign3A_564 : i1 to i32
        %sign3A_566 = arith.subi %sign3A_562, %sign3A_565 : i32
        %ne3A_567 = arith.cmpi ne, %sign3A_559, %sign3A_566 : i32
        %rem3A_568 = arith.remsi %add3A_550, %jit3A_551 : i32
        %ne3A_569 = arith.constant 0 : i32
        %ne3A_570 = arith.cmpi ne, %rem3A_568, %ne3A_569 : i32
        %and3A_571 = arith.andi %ne3A_567, %ne3A_570 : i1
        %sub3A_572 = arith.constant 1 : i32
        %sub3A_573 = arith.subi %div3A_552, %sub3A_572 : i32
        %select_n3A_574 = arith.select %and3A_571, %sub3A_573, %div3A_552 : i32
        %jit3A_575 = arith.constant 64 : i32
        %eq3A_576 = arith.constant 0 : i32
        %eq3A_577 = arith.cmpi eq, %jit3A_575, %eq3A_576 : i32
        %jit3A_578 = arith.constant 1 : i32
        %select_n3A_579 = arith.select %eq3A_577, %jit3A_578, %jit3A_575 : i32
        %rem3A_580 = arith.remsi %add3A_550, %select_n3A_579 : i32
        %ne3A_581 = arith.constant 0 : i32
        %ne3A_582 = arith.cmpi ne, %rem3A_580, %ne3A_581 : i32
        %lt3A_583 = arith.constant 0 : i32
        %lt3A_584 = arith.cmpi slt, %rem3A_580, %lt3A_583 : i32
        %lt3A_585 = arith.constant 0 : i32
        %lt3A_586 = arith.cmpi slt, %select_n3A_579, %lt3A_585 : i32
        %ne3A_587 = arith.xori %lt3A_584, %lt3A_586 : i1
        %and3A_588 = arith.andi %ne3A_587, %ne3A_582 : i1
        %add3A_589 = arith.addi %rem3A_580, %select_n3A_579 : i32
        %select_n3A_590 = arith.select %and3A_588, %add3A_589, %rem3A_580 : i32
        %mul3A_591 = arith.constant 32 : i32
        %mul3A_592 = arith.muli %select_n3A_590, %mul3A_591 : i32
        %mul3A_593 = arith.constant 0 : i32
        %mul3A_594 = arith.muli %squeeze3A, %mul3A_593 : i32
        %eq3A_595 = arith.constant 0 : i32
        %eq3A_596 = arith.cmpi eq, %select_n3A_574, %eq3A_595 : i32
        %select_n3A_597 = arith.select %eq3A_596, %squeeze3A, %mul3A_594 : i32
        %eq3A_598 = arith.constant 1 : i32
        %eq3A_599 = arith.cmpi eq, %select_n3A_574, %eq3A_598 : i32
        %select_n3A_600 = arith.select %eq3A_599, %squeeze3A_8, %select_n3A_597 : i32
        %eq3A_601 = arith.constant 2 : i32
        %eq3A_602 = arith.cmpi eq, %select_n3A_574, %eq3A_601 : i32
        %select_n3A_603 = arith.select %eq3A_602, %squeeze3A_10, %select_n3A_600 : i32
        %eq3A_604 = arith.constant 3 : i32
        %eq3A_605 = arith.cmpi eq, %select_n3A_574, %eq3A_604 : i32
        %select_n3A_606 = arith.select %eq3A_605, %squeeze3A_12, %select_n3A_603 : i32
        %eq3A_607 = arith.constant 4 : i32
        %eq3A_608 = arith.cmpi eq, %select_n3A_574, %eq3A_607 : i32
        %select_n3A_609 = arith.select %eq3A_608, %squeeze3A_14, %select_n3A_606 : i32
        %eq3A_610 = arith.constant 5 : i32
        %eq3A_611 = arith.cmpi eq, %select_n3A_574, %eq3A_610 : i32
        %select_n3A_612 = arith.select %eq3A_611, %squeeze3A_16, %select_n3A_609 : i32
        %eq3A_613 = arith.constant 6 : i32
        %eq3A_614 = arith.cmpi eq, %select_n3A_574, %eq3A_613 : i32
        %select_n3A_615 = arith.select %eq3A_614, %squeeze3A_18, %select_n3A_612 : i32
        %eq3A_616 = arith.constant 7 : i32
        %eq3A_617 = arith.cmpi eq, %select_n3A_574, %eq3A_616 : i32
        %select_n3A_618 = arith.select %eq3A_617, %squeeze3A_20, %select_n3A_615 : i32
        %sub3A_619 = arith.subi %select_n3A_618, %mul3A_592 : i32
        %jit3A_620 = arith.constant 0 : i32
        %jit3A_621 = arith.constant 32 : i32
        %max3A_622 = arith.maxsi %jit3A_620, %sub3A_619 : i32
        %min3A_623 = arith.minsi %jit3A_621, %max3A_622 : i32
        %gt3A_624 = arith.constant 0 : i32
        %gt3A_625 = arith.cmpi sgt, %min3A_623, %gt3A_624 : i32
        %convert_element_type3A_626 = arith.extui %gt3A_625 : i1 to i32
        %cond3A_627 = arith.constant 0 : i32
        %cond3A_628 = arith.cmpi ne, %convert_element_type3A_626, %cond3A_627 : i32
        scf.if %cond3A_628 {
          %mul3A_640 = arith.constant 32 : i32
          %mul3A_641 = arith.muli %add3A_524, %mul3A_640 : i32
          %dma_wait3A_642 = tpu.memref_slice %arg5[%mul3A_641] : memref<512xi32, #tpu.memory_space<vmem>> -> memref<32xi32, #tpu.memory_space<vmem>>
          %dma_wait3A_643 = arith.constant 0 : i32
          %dma_wait3A_644 = arith.constant 0 : i32
          %dma_wait3A_645 = tpu.memref_slice %arg2[%dma_wait3A_643, %dma_wait3A_644] : memref<8192x1024xf32, #tpu.memory_space<hbm>> -> memref<8192x1024xf32, #tpu.memory_space<hbm>>
          tpu.wait_indirect_dma semaphore(%arg11 : memref<!tpu.dma_semaphore, #tpu.memory_space<semaphore_mem>>) src(%dma_wait3A_645 : memref<8192x1024xf32, #tpu.memory_space<hbm>>) dst(%arg7 : memref<32x1024xf32, #tpu.memory_space<vmem>>)
          %lt3A_646 = arith.constant 32 : i32
          %lt3A_647 = arith.cmpi slt, %min3A_623, %lt3A_646 : i32
          %convert_element_type3A_648 = arith.extui %lt3A_647 : i1 to i32
          %cond3A_649 = arith.constant 0 : i32
          %cond3A_650 = arith.cmpi ne, %convert_element_type3A_648, %cond3A_649 : i32
          scf.if %cond3A_650 {
            %while3A = arith.constant 0 : i32
            %while3A_656 = arith.constant 32 : i32
            %while3A_657 = arith.subi %while3A_656, %min3A_623 : i32
            %while3A_658 = arith.addi %min3A_623, %while3A_657 : i32
            %while3A_659 = arith.constant 1 : i32
            %while3A_660 = arith.divsi %while3A_657, %while3A_659 : i32
            %while3A_661 = arith.muli %while3A_660, %while3A_659 : i32
            %while3A_662 = arith.addi %min3A_623, %while3A_661 : i32
            %while3A_663 = arith.constant 1 : i32
            scf.for %while3A_665 = %min3A_623 to %while3A_662 step %while3A_663  : i32 {
              %scan3A_666 = arith.constant 0 : i32
              %scan3A_667 = arith.constant 64 : i32
              %scan3A_668 = arith.addi %scan3A_666, %scan3A_667 : i32
              %scan3A_669 = arith.constant 1 : i32
              scf.for %scan3A_671 = %scan3A_666 to %scan3A_668 step %scan3A_669  : i32 {
                %broadcast_in_dim3A_672 = arith.constant 0.000000e+00 : f32
                %broadcast_in_dim3A_673 = vector.broadcast %broadcast_in_dim3A_672 : f32 to vector<16xf32>
                %mul3A_674 = arith.constant 16 : i32
                %mul3A_675 = arith.muli %scan3A_671, %mul3A_674 : i32
                %swap3A_676 = arith.index_cast %while3A_665 : i32 to index
                %swap3A_677 = arith.index_cast %mul3A_675 : i32 to index
                %swap3A_678 = tpu.vector_load %arg7[%swap3A_676, %swap3A_677] {strides = array<i32>} : memref<32x1024xf32, #tpu.memory_space<vmem>>, vector<1x16xf32>,
                %swap3A_679 = vector.shape_cast %swap3A_678 : vector<1x16xf32> to vector<16xf32>
                %swap3A_680 = vector.shape_cast %broadcast_in_dim3A_673 : vector<16xf32> to vector<1x16xf32>
                tpu.vector_store %arg7[%swap3A_676, %swap3A_677], %swap3A_680 {strides = array<i32>} : memref<32x1024xf32, #tpu.memory_space<vmem>>, vector<1x16xf32>,
              }
              %scan3A_670 = arith.constant 64 : i32
            }
            %while3A_664 = arith.constant 1 : i32
            scf.for %while3A_665 = %while3A_662 to %while3A_658 step %while3A_664  : i32 {
              %scan3A_666 = arith.constant 0 : i32
              %scan3A_667 = arith.constant 64 : i32
              %scan3A_668 = arith.addi %scan3A_666, %scan3A_667 : i32
              %scan3A_669 = arith.constant 1 : i32
              scf.for %scan3A_671 = %scan3A_666 to %scan3A_668 step %scan3A_669  : i32 {
                %broadcast_in_dim3A_672 = arith.constant 0.000000e+00 : f32
                %broadcast_in_dim3A_673 = vector.broadcast %broadcast_in_dim3A_672 : f32 to vector<16xf32>
                %mul3A_674 = arith.constant 16 : i32
                %mul3A_675 = arith.muli %scan3A_671, %mul3A_674 : i32
                %swap3A_676 = arith.index_cast %while3A_665 : i32 to index
                %swap3A_677 = arith.index_cast %mul3A_675 : i32 to index
                %swap3A_678 = tpu.vector_load %arg7[%swap3A_676, %swap3A_677] {strides = array<i32>} : memref<32x1024xf32, #tpu.memory_space<vmem>>, vector<1x16xf32>,
                %swap3A_679 = vector.shape_cast %swap3A_678 : vector<1x16xf32> to vector<16xf32>
                %swap3A_680 = vector.shape_cast %broadcast_in_dim3A_673 : vector<16xf32> to vector<1x16xf32>
                tpu.vector_store %arg7[%swap3A_676, %swap3A_677], %swap3A_680 {strides = array<i32>} : memref<32x1024xf32, #tpu.memory_space<vmem>>, vector<1x16xf32>,
              }
              %scan3A_670 = arith.constant 64 : i32
            }
          } else {
          }
          %mul3A_651 = arith.constant 32 : i32
          %mul3A_652 = arith.muli %add3A_550, %mul3A_651 : i32
          %dma_start3A = arith.constant 0 : i32
          %dma_start3A_653 = tpu.memref_slice %arg4[%mul3A_652, %dma_start3A] : memref<16384x1024xf32, #tpu.memory_space<hbm>> -> memref<32x1024xf32, #tpu.memory_space<hbm>>
          %dma_start3A_654 = arith.constant 0 : i32
          %dma_start3A_655 = tpu.memref_slice %arg4[%mul3A_652, %dma_start3A_654] : memref<16384x1024xf32, #tpu.memory_space<hbm>> -> memref<32x1024xf32, #tpu.memory_space<hbm>>
          tpu.enqueue_dma source(%arg7 : memref<32x1024xf32, #tpu.memory_space<vmem>>) target(%dma_start3A_655 : memref<32x1024xf32, #tpu.memory_space<hbm>>) target_semaphore(%arg14 : memref<!tpu.dma_semaphore, #tpu.memory_space<semaphore_mem>>)
        } else {
        }
        %le3A = arith.constant 0 : i32
        %le3A_629 = arith.cmpi sle, %min3A_623, %le3A : i32
        %convert_element_type3A_630 = arith.extui %le3A_629 : i1 to i32
        %cond3A_631 = arith.constant 0 : i32
        %cond3A_632 = arith.cmpi ne, %convert_element_type3A_630, %cond3A_631 : i32
        scf.if %cond3A_632 {
          %mul3A_640 = arith.constant 32 : i32
          %mul3A_641 = arith.muli %add3A_550, %mul3A_640 : i32
          %add3A_642 = arith.constant 0 : i32
          %add3A_643 = arith.addi %mul3A_641, %add3A_642 : i32
          %dma_start3A = arith.constant 0 : i32
          %dma_start3A_644 = tpu.memref_slice %arg4[%add3A_643, %dma_start3A] : memref<16384x1024xf32, #tpu.memory_space<hbm>> -> memref<16x1024xf32, #tpu.memory_space<hbm>>
          %dma_start3A_645 = arith.constant 0 : i32
          %dma_start3A_646 = tpu.memref_slice %arg4[%add3A_643, %dma_start3A_645] : memref<16384x1024xf32, #tpu.memory_space<hbm>> -> memref<16x1024xf32, #tpu.memory_space<hbm>>
          tpu.enqueue_dma source(%arg10 : memref<16x1024xf32, #tpu.memory_space<vmem>>) target(%dma_start3A_646 : memref<16x1024xf32, #tpu.memory_space<hbm>>) target_semaphore(%arg14 : memref<!tpu.dma_semaphore, #tpu.memory_space<semaphore_mem>>)
          %mul3A_647 = arith.constant 32 : i32
          %mul3A_648 = arith.muli %add3A_550, %mul3A_647 : i32
          %add3A_649 = arith.constant 16 : i32
          %add3A_650 = arith.addi %mul3A_648, %add3A_649 : i32
          %dma_start3A_651 = arith.constant 0 : i32
          %dma_start3A_652 = tpu.memref_slice %arg4[%add3A_650, %dma_start3A_651] : memref<16384x1024xf32, #tpu.memory_space<hbm>> -> memref<16x1024xf32, #tpu.memory_space<hbm>>
          %dma_start3A_653 = arith.constant 0 : i32
          %dma_start3A_654 = tpu.memref_slice %arg4[%add3A_650, %dma_start3A_653] : memref<16384x1024xf32, #tpu.memory_space<hbm>> -> memref<16x1024xf32, #tpu.memory_space<hbm>>
          tpu.enqueue_dma source(%arg10 : memref<16x1024xf32, #tpu.memory_space<vmem>>) target(%dma_start3A_654 : memref<16x1024xf32, #tpu.memory_space<hbm>>) target_semaphore(%arg14 : memref<!tpu.dma_semaphore, #tpu.memory_space<semaphore_mem>>)
        } else {
        }
        %add3A_633 = arith.constant 3 : i32
        %add3A_634 = arith.addi %add3A_524, %add3A_633 : i32
        %lt3A_635 = arith.constant 16 : i32
        %lt3A_636 = arith.cmpi slt, %add3A_634, %lt3A_635 : i32
        %convert_element_type3A_637 = arith.extui %lt3A_636 : i1 to i32
        %cond3A_638 = arith.constant 0 : i32
        %cond3A_639 = arith.cmpi ne, %convert_element_type3A_637, %cond3A_638 : i32
        scf.if %cond3A_639 {
          %add3A_640 = arith.constant 3 : i32
          %add3A_641 = arith.addi %add3A_524, %add3A_640 : i32
          %mul3A_642 = arith.constant 32 : i32
          %mul3A_643 = arith.muli %add3A_641, %mul3A_642 : i32
          %add3A_644 = arith.addi %add3A, %mul3A_643 : i32
          %jit3A_645 = arith.constant 64 : i32
          %div3A_646 = arith.divsi %add3A_644, %jit3A_645 : i32
          %sign3A_647 = arith.constant 0 : i32
          %sign3A_648 = arith.cmpi sgt, %add3A_644, %sign3A_647 : i32
          %sign3A_649 = arith.extui %sign3A_648 : i1 to i32
          %sign3A_650 = arith.constant 0 : i32
          %sign3A_651 = arith.cmpi slt, %add3A_644, %sign3A_650 : i32
          %sign3A_652 = arith.extui %sign3A_651 : i1 to i32
          %sign3A_653 = arith.subi %sign3A_649, %sign3A_652 : i32
          %sign3A_654 = arith.constant 0 : i32
          %sign3A_655 = arith.cmpi sgt, %jit3A_645, %sign3A_654 : i32
          %sign3A_656 = arith.extui %sign3A_655 : i1 to i32
          %sign3A_657 = arith.constant 0 : i32
          %sign3A_658 = arith.cmpi slt, %jit3A_645, %sign3A_657 : i32
          %sign3A_659 = arith.extui %sign3A_658 : i1 to i32
          %sign3A_660 = arith.subi %sign3A_656, %sign3A_659 : i32
          %ne3A_661 = arith.cmpi ne, %sign3A_653, %sign3A_660 : i32
          %rem3A_662 = arith.remsi %add3A_644, %jit3A_645 : i32
          %ne3A_663 = arith.constant 0 : i32
          %ne3A_664 = arith.cmpi ne, %rem3A_662, %ne3A_663 : i32
          %and3A_665 = arith.andi %ne3A_661, %ne3A_664 : i1
          %sub3A_666 = arith.constant 1 : i32
          %sub3A_667 = arith.subi %div3A_646, %sub3A_666 : i32
          %select_n3A_668 = arith.select %and3A_665, %sub3A_667, %div3A_646 : i32
          %jit3A_669 = arith.constant 64 : i32
          %eq3A_670 = arith.constant 0 : i32
          %eq3A_671 = arith.cmpi eq, %jit3A_669, %eq3A_670 : i32
          %jit3A_672 = arith.constant 1 : i32
          %select_n3A_673 = arith.select %eq3A_671, %jit3A_672, %jit3A_669 : i32
          %rem3A_674 = arith.remsi %add3A_644, %select_n3A_673 : i32
          %ne3A_675 = arith.constant 0 : i32
          %ne3A_676 = arith.cmpi ne, %rem3A_674, %ne3A_675 : i32
          %lt3A_677 = arith.constant 0 : i32
          %lt3A_678 = arith.cmpi slt, %rem3A_674, %lt3A_677 : i32
          %lt3A_679 = arith.constant 0 : i32
          %lt3A_680 = arith.cmpi slt, %select_n3A_673, %lt3A_679 : i32
          %ne3A_681 = arith.xori %lt3A_678, %lt3A_680 : i1
          %and3A_682 = arith.andi %ne3A_681, %ne3A_676 : i1
          %add3A_683 = arith.addi %rem3A_674, %select_n3A_673 : i32
          %select_n3A_684 = arith.select %and3A_682, %add3A_683, %rem3A_674 : i32
          %mul3A_685 = arith.constant 32 : i32
          %mul3A_686 = arith.muli %select_n3A_684, %mul3A_685 : i32
          %mul3A_687 = arith.constant 0 : i32
          %mul3A_688 = arith.muli %squeeze3A, %mul3A_687 : i32
          %eq3A_689 = arith.constant 0 : i32
          %eq3A_690 = arith.cmpi eq, %select_n3A_668, %eq3A_689 : i32
          %select_n3A_691 = arith.select %eq3A_690, %squeeze3A, %mul3A_688 : i32
          %eq3A_692 = arith.constant 1 : i32
          %eq3A_693 = arith.cmpi eq, %select_n3A_668, %eq3A_692 : i32
          %select_n3A_694 = arith.select %eq3A_693, %squeeze3A_8, %select_n3A_691 : i32
          %eq3A_695 = arith.constant 2 : i32
          %eq3A_696 = arith.cmpi eq, %select_n3A_668, %eq3A_695 : i32
          %select_n3A_697 = arith.select %eq3A_696, %squeeze3A_10, %select_n3A_694 : i32
          %eq3A_698 = arith.constant 3 : i32
          %eq3A_699 = arith.cmpi eq, %select_n3A_668, %eq3A_698 : i32
          %select_n3A_700 = arith.select %eq3A_699, %squeeze3A_12, %select_n3A_697 : i32
          %eq3A_701 = arith.constant 4 : i32
          %eq3A_702 = arith.cmpi eq, %select_n3A_668, %eq3A_701 : i32
          %select_n3A_703 = arith.select %eq3A_702, %squeeze3A_14, %select_n3A_700 : i32
          %eq3A_704 = arith.constant 5 : i32
          %eq3A_705 = arith.cmpi eq, %select_n3A_668, %eq3A_704 : i32
          %select_n3A_706 = arith.select %eq3A_705, %squeeze3A_16, %select_n3A_703 : i32
          %eq3A_707 = arith.constant 6 : i32
          %eq3A_708 = arith.cmpi eq, %select_n3A_668, %eq3A_707 : i32
          %select_n3A_709 = arith.select %eq3A_708, %squeeze3A_18, %select_n3A_706 : i32
          %eq3A_710 = arith.constant 7 : i32
          %eq3A_711 = arith.cmpi eq, %select_n3A_668, %eq3A_710 : i32
          %select_n3A_712 = arith.select %eq3A_711, %squeeze3A_20, %select_n3A_709 : i32
          %sub3A_713 = arith.subi %select_n3A_712, %mul3A_686 : i32
          %jit3A_714 = arith.constant 0 : i32
          %jit3A_715 = arith.constant 32 : i32
          %max3A_716 = arith.maxsi %jit3A_714, %sub3A_713 : i32
          %min3A_717 = arith.minsi %jit3A_715, %max3A_716 : i32
          %mul3A_718 = arith.constant 32 : i32
          %mul3A_719 = arith.muli %add3A_550, %mul3A_718 : i32
          %dma_wait3A_720 = arith.constant 0 : i32
          %dma_wait3A_721 = tpu.memref_slice %arg4[%mul3A_719, %dma_wait3A_720] : memref<16384x1024xf32, #tpu.memory_space<hbm>> -> memref<32x1024xf32, #tpu.memory_space<hbm>>
          %dma_wait3A_722 = arith.constant 0 : i32
          %dma_wait3A_723 = tpu.memref_slice %arg4[%mul3A_719, %dma_wait3A_722] : memref<16384x1024xf32, #tpu.memory_space<hbm>> -> memref<32x1024xf32, #tpu.memory_space<hbm>>
          tpu.wait_dma2 semaphore(%arg14 : memref<!tpu.dma_semaphore, #tpu.memory_space<semaphore_mem>>) src(%arg7 : memref<32x1024xf32, #tpu.memory_space<vmem>>) dst(%dma_wait3A_723 : memref<32x1024xf32, #tpu.memory_space<hbm>>)
          %gt3A_724 = arith.constant 0 : i32
          %gt3A_725 = arith.cmpi sgt, %min3A_717, %gt3A_724 : i32
          %convert_element_type3A_726 = arith.extui %gt3A_725 : i1 to i32
          %cond3A_727 = arith.constant 0 : i32
          %cond3A_728 = arith.cmpi ne, %convert_element_type3A_726, %cond3A_727 : i32
          scf.if %cond3A_728 {
            %add3A_729 = arith.constant 3 : i32
            %add3A_730 = arith.addi %add3A_524, %add3A_729 : i32
            %mul3A_731 = arith.constant 32 : i32
            %mul3A_732 = arith.muli %add3A_730, %mul3A_731 : i32
            %dma_start3A = tpu.memref_slice %arg5[%mul3A_732] : memref<512xi32, #tpu.memory_space<vmem>> -> memref<32xi32, #tpu.memory_space<vmem>>
            %dma_start3A_733 = arith.constant 0 : i32
            %dma_start3A_734 = arith.constant 0 : i32
            %dma_start3A_735 = tpu.memref_slice %arg2[%dma_start3A_733, %dma_start3A_734] : memref<8192x1024xf32, #tpu.memory_space<hbm>> -> memref<8192x1024xf32, #tpu.memory_space<hbm>>
            tpu.enqueue_indirect_dma source(%dma_start3A_735 : memref<8192x1024xf32, #tpu.memory_space<hbm>>) target(%arg7 : memref<32x1024xf32, #tpu.memory_space<vmem>>) offsets(%dma_start3A : memref<32xi32, #tpu.memory_space<vmem>>) semaphore(%arg11 : memref<!tpu.dma_semaphore, #tpu.memory_space<semaphore_mem>>)
          } else {
          }
        } else {
        }
      } else {
      }
      %mul3A_530 = arith.constant 3 : i32
      %mul3A_531 = arith.muli %scan3A_520, %mul3A_530 : i32
      %add3A_532 = arith.constant 1 : i32
      %add3A_533 = arith.addi %mul3A_531, %add3A_532 : i32
      %lt3A_534 = arith.constant 16 : i32
      %lt3A_535 = arith.cmpi slt, %add3A_533, %lt3A_534 : i32
      %convert_element_type3A_536 = arith.extui %lt3A_535 : i1 to i32
      %cond3A_537 = arith.constant 0 : i32
      %cond3A_538 = arith.cmpi ne, %convert_element_type3A_536, %cond3A_537 : i32
      scf.if %cond3A_538 {
        %mul3A_548 = arith.constant 32 : i32
        %mul3A_549 = arith.muli %add3A_533, %mul3A_548 : i32
        %add3A_550 = arith.addi %add3A, %mul3A_549 : i32
        %jit3A_551 = arith.constant 64 : i32
        %div3A_552 = arith.divsi %add3A_550, %jit3A_551 : i32
        %sign3A_553 = arith.constant 0 : i32
        %sign3A_554 = arith.cmpi sgt, %add3A_550, %sign3A_553 : i32
        %sign3A_555 = arith.extui %sign3A_554 : i1 to i32
        %sign3A_556 = arith.constant 0 : i32
        %sign3A_557 = arith.cmpi slt, %add3A_550, %sign3A_556 : i32
        %sign3A_558 = arith.extui %sign3A_557 : i1 to i32
        %sign3A_559 = arith.subi %sign3A_555, %sign3A_558 : i32
        %sign3A_560 = arith.constant 0 : i32
        %sign3A_561 = arith.cmpi sgt, %jit3A_551, %sign3A_560 : i32
        %sign3A_562 = arith.extui %sign3A_561 : i1 to i32
        %sign3A_563 = arith.constant 0 : i32
        %sign3A_564 = arith.cmpi slt, %jit3A_551, %sign3A_563 : i32
        %sign3A_565 = arith.extui %sign3A_564 : i1 to i32
        %sign3A_566 = arith.subi %sign3A_562, %sign3A_565 : i32
        %ne3A_567 = arith.cmpi ne, %sign3A_559, %sign3A_566 : i32
        %rem3A_568 = arith.remsi %add3A_550, %jit3A_551 : i32
        %ne3A_569 = arith.constant 0 : i32
        %ne3A_570 = arith.cmpi ne, %rem3A_568, %ne3A_569 : i32
        %and3A_571 = arith.andi %ne3A_567, %ne3A_570 : i1
        %sub3A_572 = arith.constant 1 : i32
        %sub3A_573 = arith.subi %div3A_552, %sub3A_572 : i32
        %select_n3A_574 = arith.select %and3A_571, %sub3A_573, %div3A_552 : i32
        %jit3A_575 = arith.constant 64 : i32
        %eq3A_576 = arith.constant 0 : i32
        %eq3A_577 = arith.cmpi eq, %jit3A_575, %eq3A_576 : i32
        %jit3A_578 = arith.constant 1 : i32
        %select_n3A_579 = arith.select %eq3A_577, %jit3A_578, %jit3A_575 : i32
        %rem3A_580 = arith.remsi %add3A_550, %select_n3A_579 : i32
        %ne3A_581 = arith.constant 0 : i32
        %ne3A_582 = arith.cmpi ne, %rem3A_580, %ne3A_581 : i32
        %lt3A_583 = arith.constant 0 : i32
        %lt3A_584 = arith.cmpi slt, %rem3A_580, %lt3A_583 : i32
        %lt3A_585 = arith.constant 0 : i32
        %lt3A_586 = arith.cmpi slt, %select_n3A_579, %lt3A_585 : i32
        %ne3A_587 = arith.xori %lt3A_584, %lt3A_586 : i1
        %and3A_588 = arith.andi %ne3A_587, %ne3A_582 : i1
        %add3A_589 = arith.addi %rem3A_580, %select_n3A_579 : i32
        %select_n3A_590 = arith.select %and3A_588, %add3A_589, %rem3A_580 : i32
        %mul3A_591 = arith.constant 32 : i32
        %mul3A_592 = arith.muli %select_n3A_590, %mul3A_591 : i32
        %mul3A_593 = arith.constant 0 : i32
        %mul3A_594 = arith.muli %squeeze3A, %mul3A_593 : i32
        %eq3A_595 = arith.constant 0 : i32
        %eq3A_596 = arith.cmpi eq, %select_n3A_574, %eq3A_595 : i32
        %select_n3A_597 = arith.select %eq3A_596, %squeeze3A, %mul3A_594 : i32
        %eq3A_598 = arith.constant 1 : i32
        %eq3A_599 = arith.cmpi eq, %select_n3A_574, %eq3A_598 : i32
        %select_n3A_600 = arith.select %eq3A_599, %squeeze3A_8, %select_n3A_597 : i32
        %eq3A_601 = arith.constant 2 : i32
        %eq3A_602 = arith.cmpi eq, %select_n3A_574, %eq3A_601 : i32
        %select_n3A_603 = arith.select %eq3A_602, %squeeze3A_10, %select_n3A_600 : i32
        %eq3A_604 = arith.constant 3 : i32
        %eq3A_605 = arith.cmpi eq, %select_n3A_574, %eq3A_604 : i32
        %select_n3A_606 = arith.select %eq3A_605, %squeeze3A_12, %select_n3A_603 : i32
        %eq3A_607 = arith.constant 4 : i32
        %eq3A_608 = arith.cmpi eq, %select_n3A_574, %eq3A_607 : i32
        %select_n3A_609 = arith.select %eq3A_608, %squeeze3A_14, %select_n3A_606 : i32
        %eq3A_610 = arith.constant 5 : i32
        %eq3A_611 = arith.cmpi eq, %select_n3A_574, %eq3A_610 : i32
        %select_n3A_612 = arith.select %eq3A_611, %squeeze3A_16, %select_n3A_609 : i32
        %eq3A_613 = arith.constant 6 : i32
        %eq3A_614 = arith.cmpi eq, %select_n3A_574, %eq3A_613 : i32
        %select_n3A_615 = arith.select %eq3A_614, %squeeze3A_18, %select_n3A_612 : i32
        %eq3A_616 = arith.constant 7 : i32
        %eq3A_617 = arith.cmpi eq, %select_n3A_574, %eq3A_616 : i32
        %select_n3A_618 = arith.select %eq3A_617, %squeeze3A_20, %select_n3A_615 : i32
        %sub3A_619 = arith.subi %select_n3A_618, %mul3A_592 : i32
        %jit3A_620 = arith.constant 0 : i32
        %jit3A_621 = arith.constant 32 : i32
        %max3A_622 = arith.maxsi %jit3A_620, %sub3A_619 : i32
        %min3A_623 = arith.minsi %jit3A_621, %max3A_622 : i32
        %gt3A_624 = arith.constant 0 : i32
        %gt3A_625 = arith.cmpi sgt, %min3A_623, %gt3A_624 : i32
        %convert_element_type3A_626 = arith.extui %gt3A_625 : i1 to i32
        %cond3A_627 = arith.constant 0 : i32
        %cond3A_628 = arith.cmpi ne, %convert_element_type3A_626, %cond3A_627 : i32
        scf.if %cond3A_628 {
          %mul3A_640 = arith.constant 32 : i32
          %mul3A_641 = arith.muli %add3A_533, %mul3A_640 : i32
          %dma_wait3A_642 = tpu.memref_slice %arg5[%mul3A_641] : memref<512xi32, #tpu.memory_space<vmem>> -> memref<32xi32, #tpu.memory_space<vmem>>
          %dma_wait3A_643 = arith.constant 0 : i32
          %dma_wait3A_644 = arith.constant 0 : i32
          %dma_wait3A_645 = tpu.memref_slice %arg2[%dma_wait3A_643, %dma_wait3A_644] : memref<8192x1024xf32, #tpu.memory_space<hbm>> -> memref<8192x1024xf32, #tpu.memory_space<hbm>>
          tpu.wait_indirect_dma semaphore(%arg12 : memref<!tpu.dma_semaphore, #tpu.memory_space<semaphore_mem>>) src(%dma_wait3A_645 : memref<8192x1024xf32, #tpu.memory_space<hbm>>) dst(%arg8 : memref<32x1024xf32, #tpu.memory_space<vmem>>)
          %lt3A_646 = arith.constant 32 : i32
          %lt3A_647 = arith.cmpi slt, %min3A_623, %lt3A_646 : i32
          %convert_element_type3A_648 = arith.extui %lt3A_647 : i1 to i32
          %cond3A_649 = arith.constant 0 : i32
          %cond3A_650 = arith.cmpi ne, %convert_element_type3A_648, %cond3A_649 : i32
          scf.if %cond3A_650 {
            %while3A = arith.constant 0 : i32
            %while3A_656 = arith.constant 32 : i32
            %while3A_657 = arith.subi %while3A_656, %min3A_623 : i32
            %while3A_658 = arith.addi %min3A_623, %while3A_657 : i32
            %while3A_659 = arith.constant 1 : i32
            %while3A_660 = arith.divsi %while3A_657, %while3A_659 : i32
            %while3A_661 = arith.muli %while3A_660, %while3A_659 : i32
            %while3A_662 = arith.addi %min3A_623, %while3A_661 : i32
            %while3A_663 = arith.constant 1 : i32
            scf.for %while3A_665 = %min3A_623 to %while3A_662 step %while3A_663  : i32 {
              %scan3A_666 = arith.constant 0 : i32
              %scan3A_667 = arith.constant 64 : i32
              %scan3A_668 = arith.addi %scan3A_666, %scan3A_667 : i32
              %scan3A_669 = arith.constant 1 : i32
              scf.for %scan3A_671 = %scan3A_666 to %scan3A_668 step %scan3A_669  : i32 {
                %broadcast_in_dim3A_672 = arith.constant 0.000000e+00 : f32
                %broadcast_in_dim3A_673 = vector.broadcast %broadcast_in_dim3A_672 : f32 to vector<16xf32>
                %mul3A_674 = arith.constant 16 : i32
                %mul3A_675 = arith.muli %scan3A_671, %mul3A_674 : i32
                %swap3A_676 = arith.index_cast %while3A_665 : i32 to index
                %swap3A_677 = arith.index_cast %mul3A_675 : i32 to index
                %swap3A_678 = tpu.vector_load %arg8[%swap3A_676, %swap3A_677] {strides = array<i32>} : memref<32x1024xf32, #tpu.memory_space<vmem>>, vector<1x16xf32>,
                %swap3A_679 = vector.shape_cast %swap3A_678 : vector<1x16xf32> to vector<16xf32>
                %swap3A_680 = vector.shape_cast %broadcast_in_dim3A_673 : vector<16xf32> to vector<1x16xf32>
                tpu.vector_store %arg8[%swap3A_676, %swap3A_677], %swap3A_680 {strides = array<i32>} : memref<32x1024xf32, #tpu.memory_space<vmem>>, vector<1x16xf32>,
              }
              %scan3A_670 = arith.constant 64 : i32
            }
            %while3A_664 = arith.constant 1 : i32
            scf.for %while3A_665 = %while3A_662 to %while3A_658 step %while3A_664  : i32 {
              %scan3A_666 = arith.constant 0 : i32
              %scan3A_667 = arith.constant 64 : i32
              %scan3A_668 = arith.addi %scan3A_666, %scan3A_667 : i32
              %scan3A_669 = arith.constant 1 : i32
              scf.for %scan3A_671 = %scan3A_666 to %scan3A_668 step %scan3A_669  : i32 {
                %broadcast_in_dim3A_672 = arith.constant 0.000000e+00 : f32
                %broadcast_in_dim3A_673 = vector.broadcast %broadcast_in_dim3A_672 : f32 to vector<16xf32>
                %mul3A_674 = arith.constant 16 : i32
                %mul3A_675 = arith.muli %scan3A_671, %mul3A_674 : i32
                %swap3A_676 = arith.index_cast %while3A_665 : i32 to index
                %swap3A_677 = arith.index_cast %mul3A_675 : i32 to index
                %swap3A_678 = tpu.vector_load %arg8[%swap3A_676, %swap3A_677] {strides = array<i32>} : memref<32x1024xf32, #tpu.memory_space<vmem>>, vector<1x16xf32>,
                %swap3A_679 = vector.shape_cast %swap3A_678 : vector<1x16xf32> to vector<16xf32>
                %swap3A_680 = vector.shape_cast %broadcast_in_dim3A_673 : vector<16xf32> to vector<1x16xf32>
                tpu.vector_store %arg8[%swap3A_676, %swap3A_677], %swap3A_680 {strides = array<i32>} : memref<32x1024xf32, #tpu.memory_space<vmem>>, vector<1x16xf32>,
              }
              %scan3A_670 = arith.constant 64 : i32
            }
          } else {
          }
          %mul3A_651 = arith.constant 32 : i32
          %mul3A_652 = arith.muli %add3A_550, %mul3A_651 : i32
          %dma_start3A = arith.constant 0 : i32
          %dma_start3A_653 = tpu.memref_slice %arg4[%mul3A_652, %dma_start3A] : memref<16384x1024xf32, #tpu.memory_space<hbm>> -> memref<32x1024xf32, #tpu.memory_space<hbm>>
          %dma_start3A_654 = arith.constant 0 : i32
          %dma_start3A_655 = tpu.memref_slice %arg4[%mul3A_652, %dma_start3A_654] : memref<16384x1024xf32, #tpu.memory_space<hbm>> -> memref<32x1024xf32, #tpu.memory_space<hbm>>
          tpu.enqueue_dma source(%arg8 : memref<32x1024xf32, #tpu.memory_space<vmem>>) target(%dma_start3A_655 : memref<32x1024xf32, #tpu.memory_space<hbm>>) target_semaphore(%arg15 : memref<!tpu.dma_semaphore, #tpu.memory_space<semaphore_mem>>)
        } else {
        }
        %le3A = arith.constant 0 : i32
        %le3A_629 = arith.cmpi sle, %min3A_623, %le3A : i32
        %convert_element_type3A_630 = arith.extui %le3A_629 : i1 to i32
        %cond3A_631 = arith.constant 0 : i32
        %cond3A_632 = arith.cmpi ne, %convert_element_type3A_630, %cond3A_631 : i32
        scf.if %cond3A_632 {
          %mul3A_640 = arith.constant 32 : i32
          %mul3A_641 = arith.muli %add3A_550, %mul3A_640 : i32
          %add3A_642 = arith.constant 0 : i32
          %add3A_643 = arith.addi %mul3A_641, %add3A_642 : i32
          %dma_start3A = arith.constant 0 : i32
          %dma_start3A_644 = tpu.memref_slice %arg4[%add3A_643, %dma_start3A] : memref<16384x1024xf32, #tpu.memory_space<hbm>> -> memref<16x1024xf32, #tpu.memory_space<hbm>>
          %dma_start3A_645 = arith.constant 0 : i32
          %dma_start3A_646 = tpu.memref_slice %arg4[%add3A_643, %dma_start3A_645] : memref<16384x1024xf32, #tpu.memory_space<hbm>> -> memref<16x1024xf32, #tpu.memory_space<hbm>>
          tpu.enqueue_dma source(%arg10 : memref<16x1024xf32, #tpu.memory_space<vmem>>) target(%dma_start3A_646 : memref<16x1024xf32, #tpu.memory_space<hbm>>) target_semaphore(%arg15 : memref<!tpu.dma_semaphore, #tpu.memory_space<semaphore_mem>>)
          %mul3A_647 = arith.constant 32 : i32
          %mul3A_648 = arith.muli %add3A_550, %mul3A_647 : i32
          %add3A_649 = arith.constant 16 : i32
          %add3A_650 = arith.addi %mul3A_648, %add3A_649 : i32
          %dma_start3A_651 = arith.constant 0 : i32
          %dma_start3A_652 = tpu.memref_slice %arg4[%add3A_650, %dma_start3A_651] : memref<16384x1024xf32, #tpu.memory_space<hbm>> -> memref<16x1024xf32, #tpu.memory_space<hbm>>
          %dma_start3A_653 = arith.constant 0 : i32
          %dma_start3A_654 = tpu.memref_slice %arg4[%add3A_650, %dma_start3A_653] : memref<16384x1024xf32, #tpu.memory_space<hbm>> -> memref<16x1024xf32, #tpu.memory_space<hbm>>
          tpu.enqueue_dma source(%arg10 : memref<16x1024xf32, #tpu.memory_space<vmem>>) target(%dma_start3A_654 : memref<16x1024xf32, #tpu.memory_space<hbm>>) target_semaphore(%arg15 : memref<!tpu.dma_semaphore, #tpu.memory_space<semaphore_mem>>)
        } else {
        }
        %add3A_633 = arith.constant 3 : i32
        %add3A_634 = arith.addi %add3A_533, %add3A_633 : i32
        %lt3A_635 = arith.constant 16 : i32
        %lt3A_636 = arith.cmpi slt, %add3A_634, %lt3A_635 : i32
        %convert_element_type3A_637 = arith.extui %lt3A_636 : i1 to i32
        %cond3A_638 = arith.constant 0 : i32
        %cond3A_639 = arith.cmpi ne, %convert_element_type3A_637, %cond3A_638 : i32
        scf.if %cond3A_639 {
          %add3A_640 = arith.constant 3 : i32
          %add3A_641 = arith.addi %add3A_533, %add3A_640 : i32
          %mul3A_642 = arith.constant 32 : i32
          %mul3A_643 = arith.muli %add3A_641, %mul3A_642 : i32
          %add3A_644 = arith.addi %add3A, %mul3A_643 : i32
          %jit3A_645 = arith.constant 64 : i32
          %div3A_646 = arith.divsi %add3A_644, %jit3A_645 : i32
          %sign3A_647 = arith.constant 0 : i32
          %sign3A_648 = arith.cmpi sgt, %add3A_644, %sign3A_647 : i32
          %sign3A_649 = arith.extui %sign3A_648 : i1 to i32
          %sign3A_650 = arith.constant 0 : i32
          %sign3A_651 = arith.cmpi slt, %add3A_644, %sign3A_650 : i32
          %sign3A_652 = arith.extui %sign3A_651 : i1 to i32
          %sign3A_653 = arith.subi %sign3A_649, %sign3A_652 : i32
          %sign3A_654 = arith.constant 0 : i32
          %sign3A_655 = arith.cmpi sgt, %jit3A_645, %sign3A_654 : i32
          %sign3A_656 = arith.extui %sign3A_655 : i1 to i32
          %sign3A_657 = arith.constant 0 : i32
          %sign3A_658 = arith.cmpi slt, %jit3A_645, %sign3A_657 : i32
          %sign3A_659 = arith.extui %sign3A_658 : i1 to i32
          %sign3A_660 = arith.subi %sign3A_656, %sign3A_659 : i32
          %ne3A_661 = arith.cmpi ne, %sign3A_653, %sign3A_660 : i32
          %rem3A_662 = arith.remsi %add3A_644, %jit3A_645 : i32
          %ne3A_663 = arith.constant 0 : i32
          %ne3A_664 = arith.cmpi ne, %rem3A_662, %ne3A_663 : i32
          %and3A_665 = arith.andi %ne3A_661, %ne3A_664 : i1
          %sub3A_666 = arith.constant 1 : i32
          %sub3A_667 = arith.subi %div3A_646, %sub3A_666 : i32
          %select_n3A_668 = arith.select %and3A_665, %sub3A_667, %div3A_646 : i32
          %jit3A_669 = arith.constant 64 : i32
          %eq3A_670 = arith.constant 0 : i32
          %eq3A_671 = arith.cmpi eq, %jit3A_669, %eq3A_670 : i32
          %jit3A_672 = arith.constant 1 : i32
          %select_n3A_673 = arith.select %eq3A_671, %jit3A_672, %jit3A_669 : i32
          %rem3A_674 = arith.remsi %add3A_644, %select_n3A_673 : i32
          %ne3A_675 = arith.constant 0 : i32
          %ne3A_676 = arith.cmpi ne, %rem3A_674, %ne3A_675 : i32
          %lt3A_677 = arith.constant 0 : i32
          %lt3A_678 = arith.cmpi slt, %rem3A_674, %lt3A_677 : i32
          %lt3A_679 = arith.constant 0 : i32
          %lt3A_680 = arith.cmpi slt, %select_n3A_673, %lt3A_679 : i32
          %ne3A_681 = arith.xori %lt3A_678, %lt3A_680 : i1
          %and3A_682 = arith.andi %ne3A_681, %ne3A_676 : i1
          %add3A_683 = arith.addi %rem3A_674, %select_n3A_673 : i32
          %select_n3A_684 = arith.select %and3A_682, %add3A_683, %rem3A_674 : i32
          %mul3A_685 = arith.constant 32 : i32
          %mul3A_686 = arith.muli %select_n3A_684, %mul3A_685 : i32
          %mul3A_687 = arith.constant 0 : i32
          %mul3A_688 = arith.muli %squeeze3A, %mul3A_687 : i32
          %eq3A_689 = arith.constant 0 : i32
          %eq3A_690 = arith.cmpi eq, %select_n3A_668, %eq3A_689 : i32
          %select_n3A_691 = arith.select %eq3A_690, %squeeze3A, %mul3A_688 : i32
          %eq3A_692 = arith.constant 1 : i32
          %eq3A_693 = arith.cmpi eq, %select_n3A_668, %eq3A_692 : i32
          %select_n3A_694 = arith.select %eq3A_693, %squeeze3A_8, %select_n3A_691 : i32
          %eq3A_695 = arith.constant 2 : i32
          %eq3A_696 = arith.cmpi eq, %select_n3A_668, %eq3A_695 : i32
          %select_n3A_697 = arith.select %eq3A_696, %squeeze3A_10, %select_n3A_694 : i32
          %eq3A_698 = arith.constant 3 : i32
          %eq3A_699 = arith.cmpi eq, %select_n3A_668, %eq3A_698 : i32
          %select_n3A_700 = arith.select %eq3A_699, %squeeze3A_12, %select_n3A_697 : i32
          %eq3A_701 = arith.constant 4 : i32
          %eq3A_702 = arith.cmpi eq, %select_n3A_668, %eq3A_701 : i32
          %select_n3A_703 = arith.select %eq3A_702, %squeeze3A_14, %select_n3A_700 : i32
          %eq3A_704 = arith.constant 5 : i32
          %eq3A_705 = arith.cmpi eq, %select_n3A_668, %eq3A_704 : i32
          %select_n3A_706 = arith.select %eq3A_705, %squeeze3A_16, %select_n3A_703 : i32
          %eq3A_707 = arith.constant 6 : i32
          %eq3A_708 = arith.cmpi eq, %select_n3A_668, %eq3A_707 : i32
          %select_n3A_709 = arith.select %eq3A_708, %squeeze3A_18, %select_n3A_706 : i32
          %eq3A_710 = arith.constant 7 : i32
          %eq3A_711 = arith.cmpi eq, %select_n3A_668, %eq3A_710 : i32
          %select_n3A_712 = arith.select %eq3A_711, %squeeze3A_20, %select_n3A_709 : i32
          %sub3A_713 = arith.subi %select_n3A_712, %mul3A_686 : i32
          %jit3A_714 = arith.constant 0 : i32
          %jit3A_715 = arith.constant 32 : i32
          %max3A_716 = arith.maxsi %jit3A_714, %sub3A_713 : i32
          %min3A_717 = arith.minsi %jit3A_715, %max3A_716 : i32
          %mul3A_718 = arith.constant 32 : i32
          %mul3A_719 = arith.muli %add3A_550, %mul3A_718 : i32
          %dma_wait3A_720 = arith.constant 0 : i32
          %dma_wait3A_721 = tpu.memref_slice %arg4[%mul3A_719, %dma_wait3A_720] : memref<16384x1024xf32, #tpu.memory_space<hbm>> -> memref<32x1024xf32, #tpu.memory_space<hbm>>
          %dma_wait3A_722 = arith.constant 0 : i32
          %dma_wait3A_723 = tpu.memref_slice %arg4[%mul3A_719, %dma_wait3A_722] : memref<16384x1024xf32, #tpu.memory_space<hbm>> -> memref<32x1024xf32, #tpu.memory_space<hbm>>
          tpu.wait_dma2 semaphore(%arg15 : memref<!tpu.dma_semaphore, #tpu.memory_space<semaphore_mem>>) src(%arg8 : memref<32x1024xf32, #tpu.memory_space<vmem>>) dst(%dma_wait3A_723 : memref<32x1024xf32, #tpu.memory_space<hbm>>)
          %gt3A_724 = arith.constant 0 : i32
          %gt3A_725 = arith.cmpi sgt, %min3A_717, %gt3A_724 : i32
          %convert_element_type3A_726 = arith.extui %gt3A_725 : i1 to i32
          %cond3A_727 = arith.constant 0 : i32
          %cond3A_728 = arith.cmpi ne, %convert_element_type3A_726, %cond3A_727 : i32
          scf.if %cond3A_728 {
            %add3A_729 = arith.constant 3 : i32
            %add3A_730 = arith.addi %add3A_533, %add3A_729 : i32
            %mul3A_731 = arith.constant 32 : i32
            %mul3A_732 = arith.muli %add3A_730, %mul3A_731 : i32
            %dma_start3A = tpu.memref_slice %arg5[%mul3A_732] : memref<512xi32, #tpu.memory_space<vmem>> -> memref<32xi32, #tpu.memory_space<vmem>>
            %dma_start3A_733 = arith.constant 0 : i32
            %dma_start3A_734 = arith.constant 0 : i32
            %dma_start3A_735 = tpu.memref_slice %arg2[%dma_start3A_733, %dma_start3A_734] : memref<8192x1024xf32, #tpu.memory_space<hbm>> -> memref<8192x1024xf32, #tpu.memory_space<hbm>>
            tpu.enqueue_indirect_dma source(%dma_start3A_735 : memref<8192x1024xf32, #tpu.memory_space<hbm>>) target(%arg8 : memref<32x1024xf32, #tpu.memory_space<vmem>>) offsets(%dma_start3A : memref<32xi32, #tpu.memory_space<vmem>>) semaphore(%arg12 : memref<!tpu.dma_semaphore, #tpu.memory_space<semaphore_mem>>)
          } else {
          }
        } else {
        }
      } else {
      }
      %mul3A_539 = arith.constant 3 : i32
      %mul3A_540 = arith.muli %scan3A_520, %mul3A_539 : i32
      %add3A_541 = arith.constant 2 : i32
      %add3A_542 = arith.addi %mul3A_540, %add3A_541 : i32
      %lt3A_543 = arith.constant 16 : i32
      %lt3A_544 = arith.cmpi slt, %add3A_542, %lt3A_543 : i32
      %convert_element_type3A_545 = arith.extui %lt3A_544 : i1 to i32
      %cond3A_546 = arith.constant 0 : i32
      %cond3A_547 = arith.cmpi ne, %convert_element_type3A_545, %cond3A_546 : i32
      scf.if %cond3A_547 {
        %mul3A_548 = arith.constant 32 : i32
        %mul3A_549 = arith.muli %add3A_542, %mul3A_548 : i32
        %add3A_550 = arith.addi %add3A, %mul3A_549 : i32
        %jit3A_551 = arith.constant 64 : i32
        %div3A_552 = arith.divsi %add3A_550, %jit3A_551 : i32
        %sign3A_553 = arith.constant 0 : i32
        %sign3A_554 = arith.cmpi sgt, %add3A_550, %sign3A_553 : i32
        %sign3A_555 = arith.extui %sign3A_554 : i1 to i32
        %sign3A_556 = arith.constant 0 : i32
        %sign3A_557 = arith.cmpi slt, %add3A_550, %sign3A_556 : i32
        %sign3A_558 = arith.extui %sign3A_557 : i1 to i32
        %sign3A_559 = arith.subi %sign3A_555, %sign3A_558 : i32
        %sign3A_560 = arith.constant 0 : i32
        %sign3A_561 = arith.cmpi sgt, %jit3A_551, %sign3A_560 : i32
        %sign3A_562 = arith.extui %sign3A_561 : i1 to i32
        %sign3A_563 = arith.constant 0 : i32
        %sign3A_564 = arith.cmpi slt, %jit3A_551, %sign3A_563 : i32
        %sign3A_565 = arith.extui %sign3A_564 : i1 to i32
        %sign3A_566 = arith.subi %sign3A_562, %sign3A_565 : i32
        %ne3A_567 = arith.cmpi ne, %sign3A_559, %sign3A_566 : i32
        %rem3A_568 = arith.remsi %add3A_550, %jit3A_551 : i32
        %ne3A_569 = arith.constant 0 : i32
        %ne3A_570 = arith.cmpi ne, %rem3A_568, %ne3A_569 : i32
        %and3A_571 = arith.andi %ne3A_567, %ne3A_570 : i1
        %sub3A_572 = arith.constant 1 : i32
        %sub3A_573 = arith.subi %div3A_552, %sub3A_572 : i32
        %select_n3A_574 = arith.select %and3A_571, %sub3A_573, %div3A_552 : i32
        %jit3A_575 = arith.constant 64 : i32
        %eq3A_576 = arith.constant 0 : i32
        %eq3A_577 = arith.cmpi eq, %jit3A_575, %eq3A_576 : i32
        %jit3A_578 = arith.constant 1 : i32
        %select_n3A_579 = arith.select %eq3A_577, %jit3A_578, %jit3A_575 : i32
        %rem3A_580 = arith.remsi %add3A_550, %select_n3A_579 : i32
        %ne3A_581 = arith.constant 0 : i32
        %ne3A_582 = arith.cmpi ne, %rem3A_580, %ne3A_581 : i32
        %lt3A_583 = arith.constant 0 : i32
        %lt3A_584 = arith.cmpi slt, %rem3A_580, %lt3A_583 : i32
        %lt3A_585 = arith.constant 0 : i32
        %lt3A_586 = arith.cmpi slt, %select_n3A_579, %lt3A_585 : i32
        %ne3A_587 = arith.xori %lt3A_584, %lt3A_586 : i1
        %and3A_588 = arith.andi %ne3A_587, %ne3A_582 : i1
        %add3A_589 = arith.addi %rem3A_580, %select_n3A_579 : i32
        %select_n3A_590 = arith.select %and3A_588, %add3A_589, %rem3A_580 : i32
        %mul3A_591 = arith.constant 32 : i32
        %mul3A_592 = arith.muli %select_n3A_590, %mul3A_591 : i32
        %mul3A_593 = arith.constant 0 : i32
        %mul3A_594 = arith.muli %squeeze3A, %mul3A_593 : i32
        %eq3A_595 = arith.constant 0 : i32
        %eq3A_596 = arith.cmpi eq, %select_n3A_574, %eq3A_595 : i32
        %select_n3A_597 = arith.select %eq3A_596, %squeeze3A, %mul3A_594 : i32
        %eq3A_598 = arith.constant 1 : i32
        %eq3A_599 = arith.cmpi eq, %select_n3A_574, %eq3A_598 : i32
        %select_n3A_600 = arith.select %eq3A_599, %squeeze3A_8, %select_n3A_597 : i32
        %eq3A_601 = arith.constant 2 : i32
        %eq3A_602 = arith.cmpi eq, %select_n3A_574, %eq3A_601 : i32
        %select_n3A_603 = arith.select %eq3A_602, %squeeze3A_10, %select_n3A_600 : i32
        %eq3A_604 = arith.constant 3 : i32
        %eq3A_605 = arith.cmpi eq, %select_n3A_574, %eq3A_604 : i32
        %select_n3A_606 = arith.select %eq3A_605, %squeeze3A_12, %select_n3A_603 : i32
        %eq3A_607 = arith.constant 4 : i32
        %eq3A_608 = arith.cmpi eq, %select_n3A_574, %eq3A_607 : i32
        %select_n3A_609 = arith.select %eq3A_608, %squeeze3A_14, %select_n3A_606 : i32
        %eq3A_610 = arith.constant 5 : i32
        %eq3A_611 = arith.cmpi eq, %select_n3A_574, %eq3A_610 : i32
        %select_n3A_612 = arith.select %eq3A_611, %squeeze3A_16, %select_n3A_609 : i32
        %eq3A_613 = arith.constant 6 : i32
        %eq3A_614 = arith.cmpi eq, %select_n3A_574, %eq3A_613 : i32
        %select_n3A_615 = arith.select %eq3A_614, %squeeze3A_18, %select_n3A_612 : i32
        %eq3A_616 = arith.constant 7 : i32
        %eq3A_617 = arith.cmpi eq, %select_n3A_574, %eq3A_616 : i32
        %select_n3A_618 = arith.select %eq3A_617, %squeeze3A_20, %select_n3A_615 : i32
        %sub3A_619 = arith.subi %select_n3A_618, %mul3A_592 : i32
        %jit3A_620 = arith.constant 0 : i32
        %jit3A_621 = arith.constant 32 : i32
        %max3A_622 = arith.maxsi %jit3A_620, %sub3A_619 : i32
        %min3A_623 = arith.minsi %jit3A_621, %max3A_622 : i32
        %gt3A_624 = arith.constant 0 : i32
        %gt3A_625 = arith.cmpi sgt, %min3A_623, %gt3A_624 : i32
        %convert_element_type3A_626 = arith.extui %gt3A_625 : i1 to i32
        %cond3A_627 = arith.constant 0 : i32
        %cond3A_628 = arith.cmpi ne, %convert_element_type3A_626, %cond3A_627 : i32
        scf.if %cond3A_628 {
          %mul3A_640 = arith.constant 32 : i32
          %mul3A_641 = arith.muli %add3A_542, %mul3A_640 : i32
          %dma_wait3A_642 = tpu.memref_slice %arg5[%mul3A_641] : memref<512xi32, #tpu.memory_space<vmem>> -> memref<32xi32, #tpu.memory_space<vmem>>
          %dma_wait3A_643 = arith.constant 0 : i32
          %dma_wait3A_644 = arith.constant 0 : i32
          %dma_wait3A_645 = tpu.memref_slice %arg2[%dma_wait3A_643, %dma_wait3A_644] : memref<8192x1024xf32, #tpu.memory_space<hbm>> -> memref<8192x1024xf32, #tpu.memory_space<hbm>>
          tpu.wait_indirect_dma semaphore(%arg13 : memref<!tpu.dma_semaphore, #tpu.memory_space<semaphore_mem>>) src(%dma_wait3A_645 : memref<8192x1024xf32, #tpu.memory_space<hbm>>) dst(%arg9 : memref<32x1024xf32, #tpu.memory_space<vmem>>)
          %lt3A_646 = arith.constant 32 : i32
          %lt3A_647 = arith.cmpi slt, %min3A_623, %lt3A_646 : i32
          %convert_element_type3A_648 = arith.extui %lt3A_647 : i1 to i32
          %cond3A_649 = arith.constant 0 : i32
          %cond3A_650 = arith.cmpi ne, %convert_element_type3A_648, %cond3A_649 : i32
          scf.if %cond3A_650 {
            %while3A = arith.constant 0 : i32
            %while3A_656 = arith.constant 32 : i32
            %while3A_657 = arith.subi %while3A_656, %min3A_623 : i32
            %while3A_658 = arith.addi %min3A_623, %while3A_657 : i32
            %while3A_659 = arith.constant 1 : i32
            %while3A_660 = arith.divsi %while3A_657, %while3A_659 : i32
            %while3A_661 = arith.muli %while3A_660, %while3A_659 : i32
            %while3A_662 = arith.addi %min3A_623, %while3A_661 : i32
            %while3A_663 = arith.constant 1 : i32
            scf.for %while3A_665 = %min3A_623 to %while3A_662 step %while3A_663  : i32 {
              %scan3A_666 = arith.constant 0 : i32
              %scan3A_667 = arith.constant 64 : i32
              %scan3A_668 = arith.addi %scan3A_666, %scan3A_667 : i32
              %scan3A_669 = arith.constant 1 : i32
              scf.for %scan3A_671 = %scan3A_666 to %scan3A_668 step %scan3A_669  : i32 {
                %broadcast_in_dim3A_672 = arith.constant 0.000000e+00 : f32
                %broadcast_in_dim3A_673 = vector.broadcast %broadcast_in_dim3A_672 : f32 to vector<16xf32>
                %mul3A_674 = arith.constant 16 : i32
                %mul3A_675 = arith.muli %scan3A_671, %mul3A_674 : i32
                %swap3A_676 = arith.index_cast %while3A_665 : i32 to index
                %swap3A_677 = arith.index_cast %mul3A_675 : i32 to index
                %swap3A_678 = tpu.vector_load %arg9[%swap3A_676, %swap3A_677] {strides = array<i32>} : memref<32x1024xf32, #tpu.memory_space<vmem>>, vector<1x16xf32>,
                %swap3A_679 = vector.shape_cast %swap3A_678 : vector<1x16xf32> to vector<16xf32>
                %swap3A_680 = vector.shape_cast %broadcast_in_dim3A_673 : vector<16xf32> to vector<1x16xf32>
                tpu.vector_store %arg9[%swap3A_676, %swap3A_677], %swap3A_680 {strides = array<i32>} : memref<32x1024xf32, #tpu.memory_space<vmem>>, vector<1x16xf32>,
              }
              %scan3A_670 = arith.constant 64 : i32
            }
            %while3A_664 = arith.constant 1 : i32
            scf.for %while3A_665 = %while3A_662 to %while3A_658 step %while3A_664  : i32 {
              %scan3A_666 = arith.constant 0 : i32
              %scan3A_667 = arith.constant 64 : i32
              %scan3A_668 = arith.addi %scan3A_666, %scan3A_667 : i32
              %scan3A_669 = arith.constant 1 : i32
              scf.for %scan3A_671 = %scan3A_666 to %scan3A_668 step %scan3A_669  : i32 {
                %broadcast_in_dim3A_672 = arith.constant 0.000000e+00 : f32
                %broadcast_in_dim3A_673 = vector.broadcast %broadcast_in_dim3A_672 : f32 to vector<16xf32>
                %mul3A_674 = arith.constant 16 : i32
                %mul3A_675 = arith.muli %scan3A_671, %mul3A_674 : i32
                %swap3A_676 = arith.index_cast %while3A_665 : i32 to index
                %swap3A_677 = arith.index_cast %mul3A_675 : i32 to index
                %swap3A_678 = tpu.vector_load %arg9[%swap3A_676, %swap3A_677] {strides = array<i32>} : memref<32x1024xf32, #tpu.memory_space<vmem>>, vector<1x16xf32>,
                %swap3A_679 = vector.shape_cast %swap3A_678 : vector<1x16xf32> to vector<16xf32>
                %swap3A_680 = vector.shape_cast %broadcast_in_dim3A_673 : vector<16xf32> to vector<1x16xf32>
                tpu.vector_store %arg9[%swap3A_676, %swap3A_677], %swap3A_680 {strides = array<i32>} : memref<32x1024xf32, #tpu.memory_space<vmem>>, vector<1x16xf32>,
              }
              %scan3A_670 = arith.constant 64 : i32
            }
          } else {
          }
          %mul3A_651 = arith.constant 32 : i32
          %mul3A_652 = arith.muli %add3A_550, %mul3A_651 : i32
          %dma_start3A = arith.constant 0 : i32
          %dma_start3A_653 = tpu.memref_slice %arg4[%mul3A_652, %dma_start3A] : memref<16384x1024xf32, #tpu.memory_space<hbm>> -> memref<32x1024xf32, #tpu.memory_space<hbm>>
          %dma_start3A_654 = arith.constant 0 : i32
          %dma_start3A_655 = tpu.memref_slice %arg4[%mul3A_652, %dma_start3A_654] : memref<16384x1024xf32, #tpu.memory_space<hbm>> -> memref<32x1024xf32, #tpu.memory_space<hbm>>
          tpu.enqueue_dma source(%arg9 : memref<32x1024xf32, #tpu.memory_space<vmem>>) target(%dma_start3A_655 : memref<32x1024xf32, #tpu.memory_space<hbm>>) target_semaphore(%arg16 : memref<!tpu.dma_semaphore, #tpu.memory_space<semaphore_mem>>)
        } else {
        }
        %le3A = arith.constant 0 : i32
        %le3A_629 = arith.cmpi sle, %min3A_623, %le3A : i32
        %convert_element_type3A_630 = arith.extui %le3A_629 : i1 to i32
        %cond3A_631 = arith.constant 0 : i32
        %cond3A_632 = arith.cmpi ne, %convert_element_type3A_630, %cond3A_631 : i32
        scf.if %cond3A_632 {
          %mul3A_640 = arith.constant 32 : i32
          %mul3A_641 = arith.muli %add3A_550, %mul3A_640 : i32
          %add3A_642 = arith.constant 0 : i32
          %add3A_643 = arith.addi %mul3A_641, %add3A_642 : i32
          %dma_start3A = arith.constant 0 : i32
          %dma_start3A_644 = tpu.memref_slice %arg4[%add3A_643, %dma_start3A] : memref<16384x1024xf32, #tpu.memory_space<hbm>> -> memref<16x1024xf32, #tpu.memory_space<hbm>>
          %dma_start3A_645 = arith.constant 0 : i32
          %dma_start3A_646 = tpu.memref_slice %arg4[%add3A_643, %dma_start3A_645] : memref<16384x1024xf32, #tpu.memory_space<hbm>> -> memref<16x1024xf32, #tpu.memory_space<hbm>>
          tpu.enqueue_dma source(%arg10 : memref<16x1024xf32, #tpu.memory_space<vmem>>) target(%dma_start3A_646 : memref<16x1024xf32, #tpu.memory_space<hbm>>) target_semaphore(%arg16 : memref<!tpu.dma_semaphore, #tpu.memory_space<semaphore_mem>>)
          %mul3A_647 = arith.constant 32 : i32
          %mul3A_648 = arith.muli %add3A_550, %mul3A_647 : i32
          %add3A_649 = arith.constant 16 : i32
          %add3A_650 = arith.addi %mul3A_648, %add3A_649 : i32
          %dma_start3A_651 = arith.constant 0 : i32
          %dma_start3A_652 = tpu.memref_slice %arg4[%add3A_650, %dma_start3A_651] : memref<16384x1024xf32, #tpu.memory_space<hbm>> -> memref<16x1024xf32, #tpu.memory_space<hbm>>
          %dma_start3A_653 = arith.constant 0 : i32
          %dma_start3A_654 = tpu.memref_slice %arg4[%add3A_650, %dma_start3A_653] : memref<16384x1024xf32, #tpu.memory_space<hbm>> -> memref<16x1024xf32, #tpu.memory_space<hbm>>
          tpu.enqueue_dma source(%arg10 : memref<16x1024xf32, #tpu.memory_space<vmem>>) target(%dma_start3A_654 : memref<16x1024xf32, #tpu.memory_space<hbm>>) target_semaphore(%arg16 : memref<!tpu.dma_semaphore, #tpu.memory_space<semaphore_mem>>)
        } else {
        }
        %add3A_633 = arith.constant 3 : i32
        %add3A_634 = arith.addi %add3A_542, %add3A_633 : i32
        %lt3A_635 = arith.constant 16 : i32
        %lt3A_636 = arith.cmpi slt, %add3A_634, %lt3A_635 : i32
        %convert_element_type3A_637 = arith.extui %lt3A_636 : i1 to i32
        %cond3A_638 = arith.constant 0 : i32
        %cond3A_639 = arith.cmpi ne, %convert_element_type3A_637, %cond3A_638 : i32
        scf.if %cond3A_639 {
          %add3A_640 = arith.constant 3 : i32
          %add3A_641 = arith.addi %add3A_542, %add3A_640 : i32
          %mul3A_642 = arith.constant 32 : i32
          %mul3A_643 = arith.muli %add3A_641, %mul3A_642 : i32
          %add3A_644 = arith.addi %add3A, %mul3A_643 : i32
          %jit3A_645 = arith.constant 64 : i32
          %div3A_646 = arith.divsi %add3A_644, %jit3A_645 : i32
          %sign3A_647 = arith.constant 0 : i32
          %sign3A_648 = arith.cmpi sgt, %add3A_644, %sign3A_647 : i32
          %sign3A_649 = arith.extui %sign3A_648 : i1 to i32
          %sign3A_650 = arith.constant 0 : i32
          %sign3A_651 = arith.cmpi slt, %add3A_644, %sign3A_650 : i32
          %sign3A_652 = arith.extui %sign3A_651 : i1 to i32
          %sign3A_653 = arith.subi %sign3A_649, %sign3A_652 : i32
          %sign3A_654 = arith.constant 0 : i32
          %sign3A_655 = arith.cmpi sgt, %jit3A_645, %sign3A_654 : i32
          %sign3A_656 = arith.extui %sign3A_655 : i1 to i32
          %sign3A_657 = arith.constant 0 : i32
          %sign3A_658 = arith.cmpi slt, %jit3A_645, %sign3A_657 : i32
          %sign3A_659 = arith.extui %sign3A_658 : i1 to i32
          %sign3A_660 = arith.subi %sign3A_656, %sign3A_659 : i32
          %ne3A_661 = arith.cmpi ne, %sign3A_653, %sign3A_660 : i32
          %rem3A_662 = arith.remsi %add3A_644, %jit3A_645 : i32
          %ne3A_663 = arith.constant 0 : i32
          %ne3A_664 = arith.cmpi ne, %rem3A_662, %ne3A_663 : i32
          %and3A_665 = arith.andi %ne3A_661, %ne3A_664 : i1
          %sub3A_666 = arith.constant 1 : i32
          %sub3A_667 = arith.subi %div3A_646, %sub3A_666 : i32
          %select_n3A_668 = arith.select %and3A_665, %sub3A_667, %div3A_646 : i32
          %jit3A_669 = arith.constant 64 : i32
          %eq3A_670 = arith.constant 0 : i32
          %eq3A_671 = arith.cmpi eq, %jit3A_669, %eq3A_670 : i32
          %jit3A_672 = arith.constant 1 : i32
          %select_n3A_673 = arith.select %eq3A_671, %jit3A_672, %jit3A_669 : i32
          %rem3A_674 = arith.remsi %add3A_644, %select_n3A_673 : i32
          %ne3A_675 = arith.constant 0 : i32
          %ne3A_676 = arith.cmpi ne, %rem3A_674, %ne3A_675 : i32
          %lt3A_677 = arith.constant 0 : i32
          %lt3A_678 = arith.cmpi slt, %rem3A_674, %lt3A_677 : i32
          %lt3A_679 = arith.constant 0 : i32
          %lt3A_680 = arith.cmpi slt, %select_n3A_673, %lt3A_679 : i32
          %ne3A_681 = arith.xori %lt3A_678, %lt3A_680 : i1
          %and3A_682 = arith.andi %ne3A_681, %ne3A_676 : i1
          %add3A_683 = arith.addi %rem3A_674, %select_n3A_673 : i32
          %select_n3A_684 = arith.select %and3A_682, %add3A_683, %rem3A_674 : i32
          %mul3A_685 = arith.constant 32 : i32
          %mul3A_686 = arith.muli %select_n3A_684, %mul3A_685 : i32
          %mul3A_687 = arith.constant 0 : i32
          %mul3A_688 = arith.muli %squeeze3A, %mul3A_687 : i32
          %eq3A_689 = arith.constant 0 : i32
          %eq3A_690 = arith.cmpi eq, %select_n3A_668, %eq3A_689 : i32
          %select_n3A_691 = arith.select %eq3A_690, %squeeze3A, %mul3A_688 : i32
          %eq3A_692 = arith.constant 1 : i32
          %eq3A_693 = arith.cmpi eq, %select_n3A_668, %eq3A_692 : i32
          %select_n3A_694 = arith.select %eq3A_693, %squeeze3A_8, %select_n3A_691 : i32
          %eq3A_695 = arith.constant 2 : i32
          %eq3A_696 = arith.cmpi eq, %select_n3A_668, %eq3A_695 : i32
          %select_n3A_697 = arith.select %eq3A_696, %squeeze3A_10, %select_n3A_694 : i32
          %eq3A_698 = arith.constant 3 : i32
          %eq3A_699 = arith.cmpi eq, %select_n3A_668, %eq3A_698 : i32
          %select_n3A_700 = arith.select %eq3A_699, %squeeze3A_12, %select_n3A_697 : i32
          %eq3A_701 = arith.constant 4 : i32
          %eq3A_702 = arith.cmpi eq, %select_n3A_668, %eq3A_701 : i32
          %select_n3A_703 = arith.select %eq3A_702, %squeeze3A_14, %select_n3A_700 : i32
          %eq3A_704 = arith.constant 5 : i32
          %eq3A_705 = arith.cmpi eq, %select_n3A_668, %eq3A_704 : i32
          %select_n3A_706 = arith.select %eq3A_705, %squeeze3A_16, %select_n3A_703 : i32
          %eq3A_707 = arith.constant 6 : i32
          %eq3A_708 = arith.cmpi eq, %select_n3A_668, %eq3A_707 : i32
          %select_n3A_709 = arith.select %eq3A_708, %squeeze3A_18, %select_n3A_706 : i32
          %eq3A_710 = arith.constant 7 : i32
          %eq3A_711 = arith.cmpi eq, %select_n3A_668, %eq3A_710 : i32
          %select_n3A_712 = arith.select %eq3A_711, %squeeze3A_20, %select_n3A_709 : i32
          %sub3A_713 = arith.subi %select_n3A_712, %mul3A_686 : i32
          %jit3A_714 = arith.constant 0 : i32
          %jit3A_715 = arith.constant 32 : i32
          %max3A_716 = arith.maxsi %jit3A_714, %sub3A_713 : i32
          %min3A_717 = arith.minsi %jit3A_715, %max3A_716 : i32
          %mul3A_718 = arith.constant 32 : i32
          %mul3A_719 = arith.muli %add3A_550, %mul3A_718 : i32
          %dma_wait3A_720 = arith.constant 0 : i32
          %dma_wait3A_721 = tpu.memref_slice %arg4[%mul3A_719, %dma_wait3A_720] : memref<16384x1024xf32, #tpu.memory_space<hbm>> -> memref<32x1024xf32, #tpu.memory_space<hbm>>
          %dma_wait3A_722 = arith.constant 0 : i32
          %dma_wait3A_723 = tpu.memref_slice %arg4[%mul3A_719, %dma_wait3A_722] : memref<16384x1024xf32, #tpu.memory_space<hbm>> -> memref<32x1024xf32, #tpu.memory_space<hbm>>
          tpu.wait_dma2 semaphore(%arg16 : memref<!tpu.dma_semaphore, #tpu.memory_space<semaphore_mem>>) src(%arg9 : memref<32x1024xf32, #tpu.memory_space<vmem>>) dst(%dma_wait3A_723 : memref<32x1024xf32, #tpu.memory_space<hbm>>)
          %gt3A_724 = arith.constant 0 : i32
          %gt3A_725 = arith.cmpi sgt, %min3A_717, %gt3A_724 : i32
          %convert_element_type3A_726 = arith.extui %gt3A_725 : i1 to i32
          %cond3A_727 = arith.constant 0 : i32
          %cond3A_728 = arith.cmpi ne, %convert_element_type3A_726, %cond3A_727 : i32
          scf.if %cond3A_728 {
            %add3A_729 = arith.constant 3 : i32
            %add3A_730 = arith.addi %add3A_542, %add3A_729 : i32
            %mul3A_731 = arith.constant 32 : i32
            %mul3A_732 = arith.muli %add3A_730, %mul3A_731 : i32
            %dma_start3A = tpu.memref_slice %arg5[%mul3A_732] : memref<512xi32, #tpu.memory_space<vmem>> -> memref<32xi32, #tpu.memory_space<vmem>>
            %dma_start3A_733 = arith.constant 0 : i32
            %dma_start3A_734 = arith.constant 0 : i32
            %dma_start3A_735 = tpu.memref_slice %arg2[%dma_start3A_733, %dma_start3A_734] : memref<8192x1024xf32, #tpu.memory_space<hbm>> -> memref<8192x1024xf32, #tpu.memory_space<hbm>>
            tpu.enqueue_indirect_dma source(%dma_start3A_735 : memref<8192x1024xf32, #tpu.memory_space<hbm>>) target(%arg9 : memref<32x1024xf32, #tpu.memory_space<vmem>>) offsets(%dma_start3A : memref<32xi32, #tpu.memory_space<vmem>>) semaphore(%arg13 : memref<!tpu.dma_semaphore, #tpu.memory_space<semaphore_mem>>)
          } else {
          }
        } else {
        }
      } else {
      }
    }
    %scan3A_496 = arith.constant 6 : i32
    %add3A_497 = arith.constant 416 : i32
    %add3A_498 = arith.addi %add3A, %add3A_497 : i32
    %mul3A_499 = arith.constant 32 : i32
    %mul3A_500 = arith.muli %add3A_498, %mul3A_499 : i32
    %dma_wait3A = arith.constant 0 : i32
    %dma_wait3A_501 = tpu.memref_slice %arg4[%mul3A_500, %dma_wait3A] : memref<16384x1024xf32, #tpu.memory_space<hbm>> -> memref<32x1024xf32, #tpu.memory_space<hbm>>
    %dma_wait3A_502 = arith.constant 0 : i32
    %dma_wait3A_503 = tpu.memref_slice %arg4[%mul3A_500, %dma_wait3A_502] : memref<16384x1024xf32, #tpu.memory_space<hbm>> -> memref<32x1024xf32, #tpu.memory_space<hbm>>
    tpu.wait_dma2 semaphore(%arg15 : memref<!tpu.dma_semaphore, #tpu.memory_space<semaphore_mem>>) src(%arg8 : memref<32x1024xf32, #tpu.memory_space<vmem>>) dst(%dma_wait3A_503 : memref<32x1024xf32, #tpu.memory_space<hbm>>)
    %add3A_504 = arith.constant 448 : i32
    %add3A_505 = arith.addi %add3A, %add3A_504 : i32
    %mul3A_506 = arith.constant 32 : i32
    %mul3A_507 = arith.muli %add3A_505, %mul3A_506 : i32
    %dma_wait3A_508 = arith.constant 0 : i32
    %dma_wait3A_509 = tpu.memref_slice %arg4[%mul3A_507, %dma_wait3A_508] : memref<16384x1024xf32, #tpu.memory_space<hbm>> -> memref<32x1024xf32, #tpu.memory_space<hbm>>
    %dma_wait3A_510 = arith.constant 0 : i32
    %dma_wait3A_511 = tpu.memref_slice %arg4[%mul3A_507, %dma_wait3A_510] : memref<16384x1024xf32, #tpu.memory_space<hbm>> -> memref<32x1024xf32, #tpu.memory_space<hbm>>
    tpu.wait_dma2 semaphore(%arg16 : memref<!tpu.dma_semaphore, #tpu.memory_space<semaphore_mem>>) src(%arg9 : memref<32x1024xf32, #tpu.memory_space<vmem>>) dst(%dma_wait3A_511 : memref<32x1024xf32, #tpu.memory_space<hbm>>)
    %add3A_512 = arith.constant 480 : i32
    %add3A_513 = arith.addi %add3A, %add3A_512 : i32
    %mul3A_514 = arith.constant 32 : i32
    %mul3A_515 = arith.muli %add3A_513, %mul3A_514 : i32
    %dma_wait3A_516 = arith.constant 0 : i32
    %dma_wait3A_517 = tpu.memref_slice %arg4[%mul3A_515, %dma_wait3A_516] : memref<16384x1024xf32, #tpu.memory_space<hbm>> -> memref<32x1024xf32, #tpu.memory_space<hbm>>
    %dma_wait3A_518 = arith.constant 0 : i32
    %dma_wait3A_519 = tpu.memref_slice %arg4[%mul3A_515, %dma_wait3A_518] : memref<16384x1024xf32, #tpu.memory_space<hbm>> -> memref<32x1024xf32, #tpu.memory_space<hbm>>
    tpu.wait_dma2 semaphore(%arg14 : memref<!tpu.dma_semaphore, #tpu.memory_space<semaphore_mem>>) src(%arg7 : memref<32x1024xf32, #tpu.memory_space<vmem>>) dst(%dma_wait3A_519 : memref<32x1024xf32, #tpu.memory_space<hbm>>)
    return
  }
}

</mosaic_0001>

<sc_bundles>
// kernel: kernel.3.cloned.1.call-start
scs
__scs_entry_jumppad:
0x0: {  	(pc) =	sbr.rel $0x88, $3  }
0x1: {  	(tag) =	ssettag $0x0;
	lr =	simm.s32 $0x1  }
0x2: {  	[smem:$0x3F9F] =	sst lr;
	_ =	strace $0xD0000000  }
0x3: {  	_ = 	snop  }
0x4: {  	_ = 	snop  }
0x5: {  	_ = 	snop  }
0x6: {  	_ = 	snop  }
0x7: {  	_ = 	snop  }
__scs_overlays_trampoline_lowered:
0x8: {  	[smem:$0x3FAE] =	sst s0  }
0x9: {  	[smem:$0x3FAF] =	sst s1  }
0xa: {  	[smem:$0x3FB0] =	sst s2  }
0xb: {  	[smem:$0x3FB1] =	sst s3  }
0xc: {  	[smem:$0x3FB2] =	sst s4  }
0xd: {  	[smem:$0x3FB3] =	sst s5  }
0xe: {  	[smem:$0x3FB4] =	sst s6  }
0xf: {  	[smem:$0x3FB5] =	sst s7  }
0x10: {  	[smem:$0x3FB6] =	sst s8  }
0x11: {  	[smem:$0x3FB7] =	sst s9;
	s0 =	simm.s32 @!p0 $0x0  }
0x12: {  	s1 =	sld [smem:$0x3F9D];
	s0 =	simm.s32 @p0 $0x1  }
0x13: {  	[smem:$0x3FB8] =	sst s0;
	s0 =	simm.s32 @!p1 $0x0  }
0x14: {  	s2 =	sld [smem:$0x3F9C];
	s0 =	simm.s32 @p1 $0x1  }
0x15: {  	[smem:$0x3FB9] =	sst s0;
	s0 =	simm.s32 @!p2 $0x0  }
0x16: {  	s3 =	sld [smem:$0x3FDB];
	s0 =	simm.s32 @p2 $0x1  }
0x17: {  	s4 =	simm.s32 $0x1BF5;
	[smem:$0x3FBB] =	sst s0  }
0x18: {  	s0 =	sld [smem:$0x3F9E];
	_ =	swait.ge [sflag:s4], $0x0  }
0x19: {  	s7 =	sld [smem:$0x3F9F]  }
0x1a: {  	s8 =	sadd.s32 $0xFFFFE003, lr  }
0x1b: {  	s9 =	sadd.s32 $0xFFFFFEF7, lr;
	s5 =	simm.s32 $0xFFFFFFFF;
	p2 =	slt.u32 s8, $0xFFFFF086  }
0x1c: {  	p1 =	slt.u32 s9, $0xF7A;
	s5 =	simm.s32 @!p2 $0x0  }
0x1d: {  	s5 =	simm.s32 @p1 $0x1;
	p0 =	seq.s32 s7, s2  }
0x1e: {  	s7 =	smul.u32 @!p0 $0xF7A, s2;
	p2 =	seq.s32 @!p0 s5, $0x0  }
0x1f: {  	s9 =	smul.u32 $0xF7A, s1;
	s8 =	simm.s32 @!p0 $0x1BF5;
	p2 =	por !p2, p0  }
0x20: {  	[sflag:s8] =	ssyncset.s32 @!p0 $0xFFFFF086;
	s6 =	sadd.s32 @!p0 s3, s7;
	s7 =	simm.s32 @!p0 $0x108  }
0x21: {  	s3 =	sadd.s32 s3, s9;
	s6 =	sadd.s32 @!p0 $0x88, s6;
	s7 =	simm.s32 @p2 $0x1082  }
0x22: {  	[simem:s7], [sflag:s8] =	dma.local @!p0 [hbm:s6], $0xF7A  }
0x23: {  	s9 =	sor.u32 $0xD0000000, s2;
	s6 =	simm.s32 $0x108;
	_ =	swait.ge @!p0 [sflag:s8], $0x0  }
0x24: {  	s3 =	sadd.s32 $0x88, s3;
	s6 =	simm.s32 @!p1 $0x1082;
	[sflag:s4] =	ssyncset.s32 $0xFFFFF086  }
0x25: {  	[simem:s6], [sflag:s4] =	dma.local [hbm:s3], $0xF7A  }
0x26: {  	[smem:$0x3F9F] =	sst s1;
	(tag) =	ssettag s2;
	_ =	strace s9  }
0x27: {  	s1 =	sld [smem:$0x3FAF]  }
0x28: {  	s2 =	sld [smem:$0x3FB0]  }
0x29: {  	s4 =	sld [smem:$0x3FB2]  }
0x2a: {  	p0 =	seq.s32 s5, $0x0;
	s5 =	sld [smem:$0x3FB3]  }
0x2b: {  	s6 =	sld [smem:$0x3FB4]  }
0x2c: {  	s7 =	sld [smem:$0x3FB5]  }
0x2d: {  	s3 =	simm.s32 $0x108;
	s8 =	sld [smem:$0x3FB6]  }
0x2e: {  	s3 =	simm.s32 @!p0 $0x1082;
	s9 =	sld [smem:$0x3FB7]  }
0x2f: {  	lr =	sadd.s32 s0, s3;
	s0 =	sld [smem:$0x3FAE]  }
0x30: {  	s3 =	sld [smem:$0x3FB1]  }
0x31: {  	[smem:$0x3FBA] =	sst s10  }
0x32: {  	s10 =	sld [smem:$0x3FB8];
	_ =	sdelay $0x3  }
0x33: {  	p0 =	seq.s32 s10, $0x1;
	s10 =	sld [smem:$0x3FBA];
	_ =	sdelay $0x3  }
0x34: {  	[smem:$0x3FBA] =	sst s10  }
0x35: {  	s10 =	sld [smem:$0x3FB9];
	_ =	sdelay $0x3  }
0x36: {  	p1 =	seq.s32 s10, $0x1;
	s10 =	sld [smem:$0x3FBA];
	_ =	sdelay $0x3  }
0x37: {  	[smem:$0x3FBA] =	sst s10  }
0x38: {  	s10 =	sld [smem:$0x3FBB]  }
0x39: {  	_ = 	snop;
	(pc) =	sbr.ind lr, $3  }
0x3a: {  	_ = 	snop  }
0x3b: {  	_ = 	snop  }
0x3c: {  	p2 =	seq.s32 s10, $0x1;
	s10 =	sld [smem:$0x3FBA]  }
0x3d: {  	_ =	shalt  }
0x3e: {  	_ =	shalt  }
0x3f: {  	_ =	shalt  }
0x40: {  	_ =	shalt  }
0x41: {  	_ =	shalt  }
0x42: {  	_ =	shalt  }
0x43: {  	_ =	shalt  }
0x44: {  	_ =	shalt  }
0x45: {  	_ =	shalt  }
0x46: {  	_ =	shalt  }
0x47: {  	_ =	shalt  }
0x48: {  	_ =	shalt  }
0x49: {  	_ =	shalt  }
0x4a: {  	_ =	shalt  }
0x4b: {  	_ =	shalt  }
0x4c: {  	_ =	shalt  }
0x4d: {  	_ =	shalt  }
0x4e: {  	_ =	shalt  }
0x4f: {  	_ =	shalt  }
0x50: {  	_ =	shalt  }
0x51: {  	_ =	shalt  }
0x52: {  	_ =	shalt  }
0x53: {  	_ =	shalt  }
0x54: {  	_ =	shalt  }
0x55: {  	_ =	shalt  }
0x56: {  	_ =	shalt  }
0x57: {  	_ =	shalt  }
0x58: {  	_ =	shalt  }
0x59: {  	_ =	shalt  }
0x5a: {  	_ =	shalt  }
0x5b: {  	_ =	shalt  }
0x5c: {  	_ =	shalt  }
0x5d: {  	_ =	shalt  }
0x5e: {  	_ =	shalt  }
0x5f: {  	_ =	shalt  }
0x60: {  	_ =	shalt  }
0x61: {  	_ =	shalt  }
0x62: {  	_ =	shalt  }
0x63: {  	_ =	shalt  }
0x64: {  	_ =	shalt  }
0x65: {  	_ =	shalt  }
0x66: {  	_ =	shalt  }
0x67: {  	_ =	shalt  }
0x68: {  	_ =	shalt  }
0x69: {  	_ =	shalt  }
0x6a: {  	_ =	shalt  }
0x6b: {  	_ =	shalt  }
0x6c: {  	_ =	shalt  }
0x6d: {  	_ =	shalt  }
0x6e: {  	_ =	shalt  }
0x6f: {  	_ =	shalt  }
0x70: {  	_ =	shalt  }
0x71: {  	_ =	shalt  }
0x72: {  	_ =	shalt  }
0x73: {  	_ =	shalt  }
0x74: {  	_ =	shalt  }
0x75: {  	_ =	shalt  }
0x76: {  	_ =	shalt  }
0x77: {  	_ =	shalt  }
0x78: {  	_ =	shalt  }
0x79: {  	_ =	shalt  }
0x7a: {  	_ =	shalt  }
0x7b: {  	_ =	shalt  }
0x7c: {  	_ =	shalt  }
0x7d: {  	_ =	shalt  }
0x7e: {  	_ =	shalt  }
0x7f: {  	_ =	shalt  }
0x80: {  	_ =	shalt  }
0x81: {  	_ =	shalt  }
0x82: {  	_ =	shalt  }
0x83: {  	_ =	shalt  }
0x84: {  	_ =	shalt  }
0x85: {  	_ =	shalt  }
0x86: {  	_ =	shalt  }
0x87: {  	_ =	shalt  }
.Lfunc_end0:
.L_simem_size_0:
called_computation_lowered:
.L_overlay_start_0:
0x88: {  	s2 =	sld [smem:$0x3FD9]  }
0x89: {  	s3 =	sld [smem:$0x3FFE];
	_ =	sdelay $0x1  }
0x8a: {  	s1 =	srdreg.scid  }
0x8b: {  	s0 =	sand.u32 $0x1, s1  }
0x8c: {  	s15 =	sshll.u32 s0, $0xA;
	s2 =	sadd.s32 s3, s2  }
0x8d: {  	s2 =	sadd.s32 s2, s15  }
0x8e: {  	[smem:$0x3FC6] =	sst s2  }
0x8f: {  	_ = 	snop  }
0x90: {  	s2 =	sld [smem:$0x3FD0];
	_ =	sdelay $0x1  }
0x91: {  	s16 =	sld [smem:$0x3FC9]  }
0x92: {  	s5 =	simm.s32 $0xA;
	s6 =	simm.s32 $0x10;
	s4 =	sld [smem:$0x3FC8]  }
0x93: {  	[smem:s6], [sflag:s5] =	dma.local [hbm:s2], $0x1  }
0x94: {  	_ =	swait.eq [sflag:s5], $0x1  }
0x95: {  	[sflag:s5] =	ssyncset.done $0x0  }
0x96: {  	[sflag:s5] =	ssyncadd.s32 $0xFFFFFFFF  }
0x97: {  	s17 =	sld [smem:$0x10];
	(tm) =	ssettm $0x1  }
0x98: {  	s18 =	sld [smem:$0x3FFB];
	_ =	sdelay $0x3  }
0x99: {  	_ =	strace s18  }
0x9a: {  	s5 =	sld [smem:$0x3FFC];
	_ =	sdelay $0x3  }
0x9b: {  	_ =	strace s5  }
0x9c: {  	s5 =	sld [smem:$0x3FFD];
	_ =	sdelay $0x3  }
0x9d: {  	_ =	strace s5  }
0x9e: {  	_ =	strace $0x8FFFFFFF  }
0x9f: {  	s19 =	sld [smem:$0x3FDB];
	_ =	sdelay $0x1  }
0xa0: {  	s20 =	simm.s32 $_scs_section_size  }
0xa1: {  	s7 =	simm.s32 $_size__tile_overlayer_lowered;
	s8 =	simm.s32 $_tile_overlayer_lowered  }
0xa2: {  	s23 =	simm.s32 $0x1BFF;
	s22 =	sshll.u32 s8, $0x1;
	s5 =	sadd.s32 s20, s19  }
0xa3: {  	s9 =	simm.s32 $0x0;
	s21 =	sshll.u32 s7, $0x1;
	s7 =	sadd.s32 s22, s5  }
0xa4: {  	[timem:s9], [sflag:s23] =	dma.local [hbm:s7], s21  }
0xa5: {  	_ =	swait.ge [sflag:s23], s21  }
0xa6: {  	s6 =	ssub.s32 $0x0, s21;
	[sflag:s23] =	ssyncset.done $0x0  }
0xa7: {  	[sflag:s23] =	ssyncadd.s32 s6;
	_ =	sdelay $0x1  }
0xa8: {  	s24 =	simm.s32 $0x1B8B  }
0xa9: {  	_ =	swait.ge [sflag:s24], $0x1  }
0xaa: {  	[sflag:s24] =	ssyncset.done $0x0  }
0xab: {  	s25 =	simm.s32 $0x1B8E;
	[sflag:s24] =	ssyncadd.s32 $0xFFFFFFFF  }
0xac: {  	s26 =	simm.s32 $execute0_lowered;
	[smem:$0x3FD2] =	sst s25  }
0xad: {  	s6 =	sshll.u32 s26, $0x1;
	_ =	strace $0x80000046;
	[dreg:$0x1] =	wrdreg $0xFFFFFFFF  }
0xae: {  	s28 =	simm.s32 $_size_execute0_lowered;
	s5 =	sadd.s32 s5, s6;
	[dreg:$0x0] =	wrdreg $0x0  }
0xaf: {  	s6 =	sshll.u32 s28, $0x1;
	[dreg:$0x2] =	wrdreg s5  }
0xb0: {  	[dreg:$0x3] =	wrdreg s6  }
0xb1: {  	[dreg:$0x4] =	wrdreg $0xC0  }
0xb2: {  	_ =	task [dreg:s9], $0x5FFFF  }
0xb3: {  	[dreg:$0x1] =	wrdreg $0xFFFFFFFF  }
0xb4: {  	[dreg:$0x0] =	wrdreg $0x60  }
0xb5: {  	[dreg:$0x2] =	wrdreg s16  }
0xb6: {  	[dreg:$0x3] =	wrdreg s4  }
0xb7: {  	[dreg:$0x4] =	wrdreg s17  }
0xb8: {  	[dreg:$0x5] =	wrdreg $0x9  }
0xb9: {  	_ =	task.clear_ibuf [dreg:s9], $0x6FFFF;
	_ =	strace $0x90000046  }
0xba: {  	s29 =	simm.s32 $0x9;
	_ =	strace $0x80000048  }
0xbb: {  	_ =	swait.ge [sflag:s29], $0x1  }
0xbc: {  	[sflag:s29] =	ssyncadd.s32 $0xFFFFFFFF  }
0xbd: {  	_ =	strace $0x90000048  }
0xbe: {  	_ =	sfence  }
0xbf: {  	s30 =	sld [smem:$0x0];
	_ =	sdelay $0x2  }
0xc0: {  	s31 =	sshll.u32 s1, $0xD;
	s1 =	sshrl.u32 s1, $0x2  }
0xc1: {  	s3 =	sand.u32 $0x4000, s31;
	s1 =	sadd.s32 s1, s30  }
0xc2: {  	s0 =	sor.u32 s3, s0;
	s1 =	sshll.u32 s1, $0x11  }
0xc3: {  	s0 =	sor.u32 s1, s0  }
0xc4: {  	s0 =	sadd.s32 $0x8F2B, s0  }
0xc5: {  	[sflag:s0] =	ssyncadd.remote.s32 $0x1  }
0xc6: {  	_ =	sfence.sel $0xFFFF  }
0xc7: {  	[dreg:$0x0] =	wrdreg $0xFFFFFFFF;
	(pc) =	sbr.abs _section_cstart, $3  }
0xc8: {  	[dreg:$0x1] =	wrdreg $0xFFFFFFFF  }
0xc9: {  	_ =	task.clear_ibuf [dreg:s9], $0x2FFFF;
	_ =	strace $0x9FFFFFFF  }
0xca: {  	(tm) =	ssettm $0x7FFFFFFF  }
0xcb: {  	_ =	shalt  }
tec
execute0_lowered:
.L_overlay_start_1:
0x0: {  	(tag) =	ssettag $0x1  }
0x1: {  	s2 =	rddreg [dreg:$0x0]  }
0x2: {  	s4 =	rddreg [dreg:$0x2]  }
0x3: {  	s0 =	srdreg.scid;
	s1 =	stileid.u32  }
0x4: {  	s5 =	simm.s32 $0x0;
	s17 =	simm.s32 $0x18280;
	s20 =	simm.s32 $0x4  }
0x5: {  	s21 =	simm.s32 $0x3;
	s23 =	simm.s32 $0x2;
	s25 =	simm.s32 $0x1  }
0x6: {  	s0 =	sand.u32 $0x1, s0;
	s1 =	sshll.u32 s1, $0x1;
	[smem:$0x7FF] =	sst s5  }
0x7: {  	s8 =	sadd.s32 $0x100, s2;
	s9 =	sadd.s32 $0x200, s2;
	s10 =	sadd.s32 $0x300, s2  }
0x8: {  	s3 =	ssub.s32 $0x2, s0;
	s6 =	sor.u32 s0, s1;
	_ =	strace $0x80000047  }
.Ltmp0:
0x9: {  	s28 =	sshrl.u32 s3, $0x1;
	s7 =	sshll.u32 s6, $0x5;
	(pc) =	sbr.rel .LBB2_1-.Ltmp0, $4  }
0xa: {  	s0 =	ssub.s32 s3, s28;
	s31 =	sor.u32 $0xC00, s7;
	[dreg:$0x4] =	wrdreg s7  }
0xb: {  	v0 =	vlaneseq.u32;
	s29 =	sor.u32 $0x10, s7;
	s11 =	sor.u32 $0x400, s7;
	[dreg:$0x7] =	wrdreg s31  }
0xc: {  	v5 =	vimm.s32 $0x0;
	v6 =	vimm.f32 $0.0e+00;
	s30 =	sor.u32 $0x410, s7;
	v1 =	vor.u32 s7, v0;
	s0 =	smax.u32 s0, $0x1;
	[dreg:$0x5] =	wrdreg s11  }
0xd: {  	s12 =	sadd.s32 $0x800, s4;
	s1 =	simm.s32 $0x0;
	v2 =	vor.u32 s29, v0;
	v3 =	vor.u32 s11, v0;
	v4 =	vor.u32 s30, v0;
	[dreg:$0x6] =	wrdreg s0  }
.LBB2_35:
0xe: {  	s0 =	simm.s32 $0x5  }
0xf: {  	_ =	swait.ge [sflag:s0], $0x8000  }
0x10: {  	[sflag:s0] =	ssyncset.done $0x0  }
0x11: {  	s30 =	simm.s32 $0x6;
	[sflag:s0] =	ssyncadd.s32 $0xFFFF8000  }
0x12: {  	_ =	swait.ge [sflag:s30], $0x8000  }
0x13: {  	[sflag:s30] =	ssyncset.done $0x0  }
0x14: {  	[sflag:s30] =	ssyncadd.s32 $0xFFFF8000  }
0x15: {  	_ =	swait.ge [sflag:s20], $0x8000  }
0x16: {  	s1 =	rddreg [dreg:$0x8]  }
0x17: {  	s31 =	rddreg [dreg:$0x6];
	s1 =	sadd.s32 $0x1, s1  }
0x18: {  	p0 =	sne.s32 s1, s31  }
.Ltmp1:
0x19: {  	_ = 	snop;
	(pc) =	sbr.rel @!p0 .LBB2_36-.Ltmp1, $3  }
0x1a: {  	_ =	sdelay $0x1  }
0x1b: {  	[sflag:s20] =	ssyncset.done $0x0  }
0x1c: {  	[sflag:s20] =	ssyncadd.s32 $0xFFFF8000  }
.LBB2_1:
0x1d: {  	[dreg:$0x8] =	wrdreg s1  }
0x1e: {  	[tilespmem:$0x200] =	vst v5;
	s0 =	rddreg [dreg:$0x1];
	s19 =	simm.s32 $0x200;
	s22 =	simm.s32 $0x7  }
0x1f: {  	[tilespmem:s19], [sflag:$0x7] =	stream.linear.gather [hbm4b:s0+s5], $0x8, $0x38;
	[tilespmem:$0x1C280] =	vst v63  }
0x20: {  	_ =	swait.ge [sflag:s22], $0x8  }
0x21: {  	[sflag:s22] =	ssyncset.done $0x0  }
0x22: {  	[sflag:s22] =	ssyncadd.s32 $0xFFFFFFF8  }
0x23: {  	v15 =	vld [tilespmem:$0x200];
	_ =	sdelay $0x4  }
0x24: {  	(v2sf) =	vpush v15, $0x0  }
0x25: {  	v14 =	vbroadcast v15, $0x0;
	v13 =	vbroadcast v15, $0x1  }
0x26: {  	v8 =	vbroadcast v15, $0x2;
	v7 =	vbroadcast v15, $0x3  }
0x27: {  	vm0 =	vlt.s32 v1, v14  }
0x28: {  	vm1 =	vlt.s32 v1, v13;
	vm5 =	vlt.s32 v1, v8;
	vm6 =	vlt.s32 v1, v7  }
0x29: {  	vm12 =	vlt.s32 v2, v14;
	vm13 =	vlt.s32 v2, v13;
	vm14 =	vlt.s32 v2, v8  }
0x2a: {  	vm15 =	vlt.s32 v2, v7;
	v9 =	vsel vm0, v1, v14;
	v10 =	vsel vm1, v1, v13  }
0x2b: {  	v11 =	vsel vm5, v1, v8;
	v12 =	vsel vm6, v1, v7;
	v38 =	vsel vm12, v2, v14  }
0x2c: {  	v19 =	vsel vm13, v2, v13;
	v9 =	vadd.s32 v10, v9;
	v10 =	vbroadcast v15, $0x4  }
0x2d: {  	v39 =	vsel vm14, v2, v8;
	v9 =	vadd.s32 v11, v9;
	v11 =	vbroadcast v15, $0x5  }
0x2e: {  	v16 =	vadd.s32 v12, v9;
	vm7 =	vlt.s32 v1, v10;
	v12 =	vbroadcast v15, $0x6  }
0x2f: {  	v9 =	vbroadcast v15, $0x7;
	v17 =	vsel vm7, v1, v10;
	vm8 =	vlt.s32 v1, v11  }
0x30: {  	v16 =	vadd.s32 v17, v16;
	v35 =	vsel vm8, v1, v11;
	vm9 =	vlt.s32 v1, v12  }
0x31: {  	vm10 =	vlt.s32 v1, v9;
	v16 =	vadd.s32 v35, v16;
	v36 =	vsel vm9, v1, v12  }
0x32: {  	vm4 =	vlt.s32 v2, v10;
	v37 =	vsel vm10, v1, v9;
	v16 =	vadd.s32 v36, v16  }
0x33: {  	s3 =	rddreg [dreg:$0x4];
	v40 =	vsel vm15, v2, v7;
	v41 =	vsel vm4, v2, v10;
	v16 =	vadd.s32 v37, v16;
	s29 =	spop (v2sf)  }
0x34: {  	vm5 =	vlt.s32 v2, v11;
	v17 =	vadd.s32 v19, v38;
	vm11 =	vlt.s32 v16, $0x1FFF;
	s24 =	ssub.s32 s29, s3  }
0x35: {  	v42 =	vsel vm5, v2, v11;
	v17 =	vadd.s32 v39, v17;
	v18 =	vnsel vm11, $0x1FFF, v16;
	p0 =	slt.s32 s24, $0x1  }
0x36: {  	vm6 =	vlt.s32 v2, v12;
	v17 =	vadd.s32 v40, v17;
	v20 =	vshll.u32 @!p0 v18, $0x3  }
0x37: {  	v21 =	vand.u32 @!p0 $0x7, v18;
	v22 =	vlaneseq.u32 @!p0;
	v20 =	vand.u32 @!p0 $0xFFFFFFC0, v20  }
0x38: {  	v23 =	vshrl.u32 @!p0 v22, $0x3;
	v20 =	vor.u32 @!p0 v21, v20;
	v21 =	vand.u32 @!p0 $0x7, v22  }
0x39: {  	v17 =	vadd.s32 v41, v17;
	v23 =	vmul.u32 @!p0 $0x8, v23;
	v24 =	vperm.xlane @!p0 v20, v21  }
0x3a: {  	vm7 =	vlt.s32 v2, v9;
	v43 =	vsel vm6, v2, v12;
	v17 =	vadd.s32 v42, v17  }
0x3b: {  	v44 =	vsel vm7, v2, v9;
	v17 =	vadd.s32 v43, v17;
	v24 =	vadd.s32 @!p0 v23, v24  }
0x3c: {  	v17 =	vadd.s32 v44, v17  }
0x3d: {  	vm8 =	vlt.s32 v17, $0x1FFF  }
0x3e: {  	[tilespmem:$0x0] =	vst v18;
	v45 =	vnsel vm8, $0x1FFF, v17  }
0x3f: {  	[tilespmem:$0x10] =	vst v45;
	vm0 =	vmmov @!p0 $0xffff;
	s0 =	simm.s32 @!p0 $0x0;
	s1 =	simm.s32 @!p0 $0x280  }
0x40: {  	v18 =	vor.u32 @!p0 $0x8, v22;
	[tilespmem:s1], [sflag:$0x1] =	stream.indirect_vreg.gather @!p0 [hbm4b:s2+s0], $0x80, v24, vm0, $0xb8;
	[tilespmem:$0x1C280] =	vst v63  }
0x41: {  	v19 =	vperm.xlane @!p0 v20, v18;
	s1 =	simm.s32 @!p0 $0xA80  }
0x42: {  	[tilespmem:s1], [sflag:$0x1] =	stream.indirect_vreg.gather @!p0 [hbm4b:s8+s0], $0x80, v24, vm0, $0xb8;
	[tilespmem:$0x1C280] =	vst v63  }
0x43: {  	v19 =	vadd.s32 @!p0 v23, v19;
	s1 =	simm.s32 @!p0 $0x1280  }
0x44: {  	[tilespmem:s1], [sflag:$0x1] =	stream.indirect_vreg.gather @!p0 [hbm4b:s9+s0], $0x80, v24, vm0, $0xb8;
	[tilespmem:$0x1C280] =	vst v63  }
0x45: {  	s1 =	simm.s32 @!p0 $0x1A80  }
0x46: {  	[tilespmem:s1], [sflag:$0x1] =	stream.indirect_vreg.gather @!p0 [hbm4b:s10+s0], $0x80, v24, vm0, $0xb8;
	[tilespmem:$0x1C280] =	vst v63  }
0x47: {  	s1 =	simm.s32 @!p0 $0x2280  }
0x48: {  	[tilespmem:s1], [sflag:$0x1] =	stream.indirect_vreg.gather @!p0 [hbm4b:s2+s0], $0x80, v19, vm0, $0xb8;
	[tilespmem:$0x1C280] =	vst v63  }
0x49: {  	s1 =	simm.s32 @!p0 $0x2A80  }
0x4a: {  	[tilespmem:s1], [sflag:$0x1] =	stream.indirect_vreg.gather @!p0 [hbm4b:s8+s0], $0x80, v19, vm0, $0xb8;
	[tilespmem:$0x1C280] =	vst v63  }
0x4b: {  	s1 =	simm.s32 @!p0 $0x3280  }
0x4c: {  	[tilespmem:s1], [sflag:$0x1] =	stream.indirect_vreg.gather @!p0 [hbm4b:s9+s0], $0x80, v19, vm0, $0xb8;
	[tilespmem:$0x1C280] =	vst v63  }
0x4d: {  	s1 =	simm.s32 @!p0 $0x3A80  }
0x4e: {  	[tilespmem:s1], [sflag:$0x1] =	stream.indirect_vreg.gather @!p0 [hbm4b:s10+s0], $0x80, v19, vm0, $0xb8;
	[tilespmem:$0x1C280] =	vst v63  }
0x4f: {  	v19 =	vld @!p0 [tilespmem:$0x10];
	_ =	sdelay $0x4  }
0x50: {  	v20 =	vshll.u32 @!p0 v19, $0x3  }
0x51: {  	v19 =	vand.u32 @!p0 $0x7, v19;
	v20 =	vand.u32 @!p0 $0xFFFFFFC0, v20  }
0x52: {  	v19 =	vor.u32 @!p0 v19, v20  }
0x53: {  	vm2 =	vlt.s32 v3, v13;
	vm12 =	vlt.s32 v3, v10;
	v20 =	vperm.xlane @!p0 v19, v21  }
0x54: {  	v47 =	vsel vm2, v3, v13;
	v50 =	vsel vm12, v3, v10;
	vm13 =	vlt.s32 v3, v11  }
0x55: {  	vm4 =	vlt.s32 v4, v14;
	v18 =	vperm.xlane @!p0 v19, v18;
	v19 =	vadd.s32 @!p0 v23, v20  }
0x56: {  	v51 =	vsel vm13, v3, v11;
	vm14 =	vlt.s32 v3, v12;
	vm15 =	vlt.s32 v3, v9  }
0x57: {  	v54 =	vsel vm4, v4, v14;
	vm5 =	vlt.s32 v4, v13;
	vm12 =	vlt.s32 v4, v9  }
0x58: {  	vm9 =	vlt.s32 v3, v14;
	vm10 =	vlt.s32 v3, v8;
	v52 =	vsel vm14, v3, v12  }
0x59: {  	v53 =	vsel vm15, v3, v9;
	v46 =	vsel vm9, v3, v14;
	v48 =	vsel vm10, v3, v8;
	s1 =	simm.s32 @!p0 $0x4280  }
0x5a: {  	vm11 =	vlt.s32 v3, v7;
	v20 =	vadd.s32 v47, v46;
	[tilespmem:s1], [sflag:$0x1] =	stream.indirect_vreg.gather @!p0 [hbm4b:s2+s0], $0x80, v19, vm0, $0xb8;
	[tilespmem:$0x1C280] =	vst v63  }
0x5b: {  	v55 =	vsel vm5, v4, v13;
	v49 =	vsel vm11, v3, v7;
	v20 =	vadd.s32 v48, v20;
	s1 =	simm.s32 @!p0 $0x4A80  }
0x5c: {  	vm7 =	vlt.s32 v4, v8;
	v20 =	vadd.s32 v49, v20;
	[tilespmem:s1], [sflag:$0x1] =	stream.indirect_vreg.gather @!p0 [hbm4b:s8+s0], $0x80, v19, vm0, $0xb8;
	[tilespmem:$0x1C280] =	vst v63  }
0x5d: {  	v56 =	vsel vm7, v4, v8;
	vm9 =	vlt.s32 v4, v10;
	v20 =	vadd.s32 v50, v20;
	s1 =	simm.s32 @!p0 $0x5280  }
0x5e: {  	vm10 =	vlt.s32 v4, v11;
	v20 =	vadd.s32 v51, v20;
	[tilespmem:s1], [sflag:$0x1] =	stream.indirect_vreg.gather @!p0 [hbm4b:s9+s0], $0x80, v19, vm0, $0xb8;
	[tilespmem:$0x1C280] =	vst v63  }
0x5f: {  	s26 =	rddreg [dreg:$0x5];
	v59 =	vsel vm9, v4, v10;
	v18 =	vadd.s32 @!p0 v23, v18;
	v20 =	vadd.s32 v52, v20;
	s1 =	simm.s32 @!p0 $0x5A80  }
0x60: {  	v60 =	vsel vm10, v4, v11;
	v20 =	vadd.s32 v53, v20;
	[tilespmem:s1], [sflag:$0x1] =	stream.indirect_vreg.gather @!p0 [hbm4b:s10+s0], $0x80, v19, vm0, $0xb8;
	[tilespmem:$0x1C280] =	vst v63  }
0x61: {  	vm8 =	vlt.s32 v4, v7;
	v21 =	vadd.s32 v55, v54;
	vm6 =	vlt.s32 v20, $0x1FFF;
	s1 =	ssub.s32 s29, s26  }
0x62: {  	v58 =	vsel vm8, v4, v7;
	v57 =	vadd.s32 v56, v21;
	v20 =	vnsel vm6, $0x1FFF, v20;
	p1 =	slt.s32 s1, $0x1  }
0x63: {  	vm11 =	vlt.s32 v4, v12;
	v19 =	vadd.s32 v58, v57;
	s1 =	simm.s32 @!p0 $0x6280;
	v21 =	vshll.u32 @!p1 v20, $0x3  }
0x64: {  	[tilespmem:s1], [sflag:$0x1] =	stream.indirect_vreg.gather @!p0 [hbm4b:s2+s0], $0x80, v18, vm0, $0xb8;
	v22 =	vand.u32 @!p1 $0x7, v20;
	v23 =	vlaneseq.u32 @!p1;
	v21 =	vand.u32 @!p1 $0xFFFFFFC0, v21;
	[tilespmem:$0x1C280] =	vst v63  }
0x65: {  	s1 =	simm.s32 @!p0 $0x6A80;
	v24 =	vshrl.u32 @!p1 v23, $0x3;
	v21 =	vor.u32 @!p1 v22, v21;
	v22 =	vand.u32 @!p1 $0x7, v23  }
0x66: {  	v19 =	vadd.s32 v59, v19;
	[tilespmem:s1], [sflag:$0x1] =	stream.indirect_vreg.gather @!p0 [hbm4b:s8+s0], $0x80, v18, vm0, $0xb8;
	v24 =	vmul.u32 @!p1 $0x8, v24;
	v26 =	vperm.xlane @!p1 v21, v22;
	[tilespmem:$0x1C280] =	vst v63  }
0x67: {  	v61 =	vsel vm12, v4, v9;
	v25 =	vsel vm11, v4, v12;
	v19 =	vadd.s32 v60, v19;
	s1 =	simm.s32 @!p0 $0x7280  }
0x68: {  	v19 =	vadd.s32 v25, v19;
	[tilespmem:s1], [sflag:$0x1] =	stream.indirect_vreg.gather @!p0 [hbm4b:s9+s0], $0x80, v18, vm0, $0xb8;
	v26 =	vadd.s32 @!p1 v24, v26;
	[tilespmem:$0x1C280] =	vst v63  }
0x69: {  	v19 =	vadd.s32 v61, v19;
	s1 =	simm.s32 @!p0 $0x7A80  }
0x6a: {  	vm13 =	vlt.s32 v19, $0x1FFF;
	[tilespmem:s1], [sflag:$0x1] =	stream.indirect_vreg.gather @!p0 [hbm4b:s10+s0], $0x80, v18, vm0, $0xb8;
	[tilespmem:$0x1C280] =	vst v63  }
0x6b: {  	v62 =	vnsel vm13, $0x1FFF, v19;
	[tilespmem:$0x20] =	vst v20  }
0x6c: {  	vm0 =	vmmov @!p1 $0xffff;
	s0 =	simm.s32 @!p1 $0x0;
	s1 =	simm.s32 @!p1 $0x8280;
	[tilespmem:$0x30] =	vst v62  }
0x6d: {  	v18 =	vor.u32 @!p1 $0x8, v23;
	[tilespmem:s1], [sflag:$0x2] =	stream.indirect_vreg.gather @!p1 [hbm4b:s2+s0], $0x80, v26, vm0, $0xb8;
	[tilespmem:$0x1C280] =	vst v63  }
0x6e: {  	v19 =	vperm.xlane @!p1 v21, v18;
	s1 =	simm.s32 @!p1 $0x8A80  }
0x6f: {  	[tilespmem:s1], [sflag:$0x2] =	stream.indirect_vreg.gather @!p1 [hbm4b:s8+s0], $0x80, v26, vm0, $0xb8;
	[tilespmem:$0x1C280] =	vst v63  }
0x70: {  	v19 =	vadd.s32 @!p1 v24, v19;
	s1 =	simm.s32 @!p1 $0x9280  }
0x71: {  	[tilespmem:s1], [sflag:$0x2] =	stream.indirect_vreg.gather @!p1 [hbm4b:s9+s0], $0x80, v26, vm0, $0xb8;
	[tilespmem:$0x1C280] =	vst v63  }
0x72: {  	s1 =	simm.s32 @!p1 $0x9A80  }
0x73: {  	[tilespmem:s1], [sflag:$0x2] =	stream.indirect_vreg.gather @!p1 [hbm4b:s10+s0], $0x80, v26, vm0, $0xb8;
	[tilespmem:$0x1C280] =	vst v63  }
0x74: {  	s1 =	simm.s32 @!p1 $0xA280  }
0x75: {  	[tilespmem:s1], [sflag:$0x2] =	stream.indirect_vreg.gather @!p1 [hbm4b:s2+s0], $0x80, v19, vm0, $0xb8;
	[tilespmem:$0x1C280] =	vst v63  }
0x76: {  	s1 =	simm.s32 @!p1 $0xAA80  }
0x77: {  	[tilespmem:s1], [sflag:$0x2] =	stream.indirect_vreg.gather @!p1 [hbm4b:s8+s0], $0x80, v19, vm0, $0xb8;
	[tilespmem:$0x1C280] =	vst v63  }
0x78: {  	s1 =	simm.s32 @!p1 $0xB280  }
0x79: {  	[tilespmem:s1], [sflag:$0x2] =	stream.indirect_vreg.gather @!p1 [hbm4b:s9+s0], $0x80, v19, vm0, $0xb8;
	[tilespmem:$0x1C280] =	vst v63  }
0x7a: {  	s1 =	simm.s32 @!p1 $0xBA80  }
0x7b: {  	[tilespmem:s1], [sflag:$0x2] =	stream.indirect_vreg.gather @!p1 [hbm4b:s10+s0], $0x80, v19, vm0, $0xb8;
	[tilespmem:$0x1C280] =	vst v63  }
0x7c: {  	v19 =	vld @!p1 [tilespmem:$0x30]  }
0x7d: {  	(v2sf) =	vpush v15, $0x1;
	_ =	sdelay $0x3  }
0x7e: {  	v20 =	vshll.u32 @!p1 v19, $0x3  }
0x7f: {  	v19 =	vand.u32 @!p1 $0x7, v19;
	v20 =	vand.u32 @!p1 $0xFFFFFFC0, v20  }
0x80: {  	v19 =	vor.u32 @!p1 v19, v20  }
0x81: {  	v20 =	vperm.xlane @!p1 v19, v22;
	_ =	sdelay $0x1  }
0x82: {  	v20 =	vadd.s32 @!p1 v24, v20;
	_ =	sdelay $0x3  }
0x83: {  	s1 =	simm.s32 @!p1 $0xC280  }
0x84: {  	[tilespmem:s1], [sflag:$0x2] =	stream.indirect_vreg.gather @!p1 [hbm4b:s2+s0], $0x80, v20, vm0, $0xb8;
	[tilespmem:$0x1C280] =	vst v63  }
0x85: {  	s30 =	spop (v2sf);
	v18 =	vperm.xlane @!p1 v19, v18;
	s1 =	simm.s32 @!p1 $0xCA80  }
0x86: {  	[tilespmem:s1], [sflag:$0x2] =	stream.indirect_vreg.gather @!p1 [hbm4b:s8+s0], $0x80, v20, vm0, $0xb8;
	[tilespmem:$0x1C280] =	vst v63  }
0x87: {  	s28 =	ssub.s32 s30, s3;
	v18 =	vadd.s32 @!p1 v24, v18;
	s1 =	simm.s32 @!p1 $0xD280  }
0x88: {  	v16 =	vadd.s32 $0x1, v16;
	[tilespmem:s1], [sflag:$0x2] =	stream.indirect_vreg.gather @!p1 [hbm4b:s9+s0], $0x80, v20, vm0, $0xb8;
	[tilespmem:$0x1C280] =	vst v63  }
0x89: {  	vm14 =	vlt.s32 v16, $0x1FFF;
	p0 =	slt.s32 s28, $0x1;
	s1 =	simm.s32 @!p1 $0xDA80  }
0x8a: {  	v16 =	vnsel vm14, $0x1FFF, v16;
	[tilespmem:s1], [sflag:$0x2] =	stream.indirect_vreg.gather @!p1 [hbm4b:s10+s0], $0x80, v20, vm0, $0xb8;
	[tilespmem:$0x1C280] =	vst v63  }
0x8b: {  	v19 =	vshll.u32 @!p0 v16, $0x3;
	s1 =	simm.s32 @!p1 $0xE280  }
0x8c: {  	v21 =	vlaneseq.u32 @!p0;
	v19 =	vand.u32 @!p0 $0xFFFFFFC0, v19;
	v20 =	vand.u32 @!p0 $0x7, v16;
	[tilespmem:s1], [sflag:$0x2] =	stream.indirect_vreg.gather @!p1 [hbm4b:s2+s0], $0x80, v18, vm0, $0xb8;
	[tilespmem:$0x1C280] =	vst v63  }
0x8d: {  	v22 =	vshrl.u32 @!p0 v21, $0x3;
	v19 =	vor.u32 @!p0 v20, v19;
	v20 =	vand.u32 @!p0 $0x7, v21;
	s1 =	simm.s32 @!p1 $0xEA80  }
0x8e: {  	v22 =	vmul.u32 @!p0 $0x8, v22;
	v23 =	vperm.xlane @!p0 v19, v20;
	[tilespmem:s1], [sflag:$0x2] =	stream.indirect_vreg.gather @!p1 [hbm4b:s8+s0], $0x80, v18, vm0, $0xb8;
	[tilespmem:$0x1C280] =	vst v63  }
0x8f: {  	s1 =	simm.s32 @!p1 $0xF280  }
0x90: {  	v23 =	vadd.s32 @!p0 v22, v23;
	[tilespmem:s1], [sflag:$0x2] =	stream.indirect_vreg.gather @!p1 [hbm4b:s9+s0], $0x80, v18, vm0, $0xb8;
	[tilespmem:$0x1C280] =	vst v63  }
0x91: {  	v17 =	vadd.s32 $0x1, v17;
	s1 =	simm.s32 @!p1 $0xFA80  }
0x92: {  	vm15 =	vlt.s32 v17, $0x1FFF;
	[tilespmem:s1], [sflag:$0x2] =	stream.indirect_vreg.gather @!p1 [hbm4b:s10+s0], $0x80, v18, vm0, $0xb8;
	[tilespmem:$0x1C280] =	vst v63  }
0x93: {  	v63 =	vnsel vm15, $0x1FFF, v17;
	[tilespmem:$0x40] =	vst v16  }
0x94: {  	s7 =	simm.s32 @!p0 $0x0;
	vm0 =	vmmov @!p0 $0xffff;
	s0 =	simm.s32 @!p0 $0x10280;
	[tilespmem:$0x50] =	vst v63  }
0x95: {  	v16 =	vor.u32 @!p0 $0x8, v21;
	[tilespmem:s0], [sflag:$0x3] =	stream.indirect_vreg.gather @!p0 [hbm4b:s2+s7], $0x80, v23, vm0, $0xb8;
	[tilespmem:$0x1C280] =	vst v63  }
0x96: {  	s0 =	simm.s32 @!p0 $0x10A80;
	v17 =	vperm.xlane @!p0 v19, v16  }
0x97: {  	[tilespmem:s0], [sflag:$0x3] =	stream.indirect_vreg.gather @!p0 [hbm4b:s8+s7], $0x80, v23, vm0, $0xb8;
	[tilespmem:$0x1C280] =	vst v63  }
0x98: {  	s0 =	simm.s32 @!p0 $0x11280;
	v17 =	vadd.s32 @!p0 v22, v17  }
0x99: {  	[tilespmem:s0], [sflag:$0x3] =	stream.indirect_vreg.gather @!p0 [hbm4b:s9+s7], $0x80, v23, vm0, $0xb8;
	[tilespmem:$0x1C280] =	vst v63  }
0x9a: {  	s0 =	simm.s32 @!p0 $0x11A80  }
0x9b: {  	[tilespmem:s0], [sflag:$0x3] =	stream.indirect_vreg.gather @!p0 [hbm4b:s10+s7], $0x80, v23, vm0, $0xb8;
	[tilespmem:$0x1C280] =	vst v63  }
0x9c: {  	s0 =	simm.s32 @!p0 $0x12280  }
0x9d: {  	[tilespmem:s0], [sflag:$0x3] =	stream.indirect_vreg.gather @!p0 [hbm4b:s2+s7], $0x80, v17, vm0, $0xb8;
	[tilespmem:$0x1C280] =	vst v63  }
0x9e: {  	s0 =	simm.s32 @!p0 $0x12A80  }
0x9f: {  	[tilespmem:s0], [sflag:$0x3] =	stream.indirect_vreg.gather @!p0 [hbm4b:s8+s7], $0x80, v17, vm0, $0xb8;
	[tilespmem:$0x1C280] =	vst v63  }
0xa0: {  	s0 =	simm.s32 @!p0 $0x13280  }
0xa1: {  	[tilespmem:s0], [sflag:$0x3] =	stream.indirect_vreg.gather @!p0 [hbm4b:s9+s7], $0x80, v17, vm0, $0xb8;
	[tilespmem:$0x1C280] =	vst v63  }
0xa2: {  	s0 =	simm.s32 @!p0 $0x13A80  }
0xa3: {  	[tilespmem:s0], [sflag:$0x3] =	stream.indirect_vreg.gather @!p0 [hbm4b:s10+s7], $0x80, v17, vm0, $0xb8;
	[tilespmem:$0x1C280] =	vst v63  }
0xa4: {  	v17 =	vld @!p0 [tilespmem:$0x50];
	_ =	sdelay $0x4  }
0xa5: {  	v18 =	vshll.u32 @!p0 v17, $0x3  }
0xa6: {  	v17 =	vand.u32 @!p0 $0x7, v17;
	v18 =	vand.u32 @!p0 $0xFFFFFFC0, v18  }
0xa7: {  	(v2sf) =	vpush v15, $0x2;
	v17 =	vor.u32 @!p0 v17, v18  }
0xa8: {  	v18 =	vperm.xlane @!p0 v17, v20  }
0xa9: {  	(v2sf) =	vpush v15, $0x3  }
0xaa: {  	v18 =	vadd.s32 @!p0 v22, v18  }
0xab: {  	(v2sf) =	vpush v15, $0x4;
	_ =	sdelay $0x1  }
0xac: {  	(v2sf) =	vpush v15, $0x5  }
0xad: {  	(v2sf) =	vpush v15, $0x6;
	s0 =	simm.s32 @!p0 $0x14280  }
0xae: {  	[tilespmem:s0], [sflag:$0x3] =	stream.indirect_vreg.gather @!p0 [hbm4b:s2+s7], $0x80, v18, vm0, $0xb8;
	[tilespmem:$0x1C280] =	vst v63  }
0xaf: {  	(v2sf) =	vpush v15, $0x7;
	v15 =	vperm.xlane @!p0 v17, v16;
	s0 =	simm.s32 @!p0 $0x14A80  }
0xb0: {  	[tilespmem:s0], [sflag:$0x3] =	stream.indirect_vreg.gather @!p0 [hbm4b:s8+s7], $0x80, v18, vm0, $0xb8;
	[tilespmem:$0x1C280] =	vst v63  }
0xb1: {  	v15 =	vadd.s32 @!p0 v22, v15;
	s0 =	simm.s32 @!p0 $0x15280  }
0xb2: {  	[tilespmem:s0], [sflag:$0x3] =	stream.indirect_vreg.gather @!p0 [hbm4b:s9+s7], $0x80, v18, vm0, $0xb8;
	[tilespmem:$0x1C280] =	vst v63  }
0xb3: {  	s0 =	simm.s32 @!p0 $0x15A80  }
0xb4: {  	[tilespmem:s0], [sflag:$0x3] =	stream.indirect_vreg.gather @!p0 [hbm4b:s10+s7], $0x80, v18, vm0, $0xb8;
	[tilespmem:$0x1C280] =	vst v63  }
0xb5: {  	s31 =	spop (v2sf);
	s0 =	simm.s32 @!p0 $0x16280  }
0xb6: {  	[tilespmem:s0], [sflag:$0x3] =	stream.indirect_vreg.gather @!p0 [hbm4b:s2+s7], $0x80, v15, vm0, $0xb8;
	[tilespmem:$0x1C280] =	vst v63  }
0xb7: {  	s1 =	simm.s32 @!p0 $0x16A80;
	s0 =	spop (v2sf)  }
0xb8: {  	[tilespmem:s1], [sflag:$0x3] =	stream.indirect_vreg.gather @!p0 [hbm4b:s8+s7], $0x80, v15, vm0, $0xb8;
	[tilespmem:$0x1C280] =	vst v63  }
0xb9: {  	s3 =	simm.s32 @!p0 $0x17280;
	s1 =	spop (v2sf)  }
0xba: {  	[tilespmem:s3], [sflag:$0x3] =	stream.indirect_vreg.gather @!p0 [hbm4b:s9+s7], $0x80, v15, vm0, $0xb8;
	[tilespmem:$0x1C280] =	vst v63  }
0xbb: {  	s3 =	spop (v2sf)  }
0xbc: {  	s11 =	simm.s32 @!p0 $0x17A80;
	s15 =	spop (v2sf)  }
0xbd: {  	[tilespmem:s11], [sflag:$0x3] =	stream.indirect_vreg.gather @!p0 [hbm4b:s10+s7], $0x80, v15, vm0, $0xb8;
	[tilespmem:$0x1C280] =	vst v63  }
0xbe: {  	s13 =	spop (v2sf);
	s7 =	simm.s32 $0x0  }
.LBB2_2:
0xbf: {  	s11 =	sshll.u32 s7, $0xA;
	s14 =	sshll.u32 s7, $0x7  }
0xc0: {  	s11 =	sand.u32 $0x2000, s11;
	s14 =	sand.u32 $0x380, s14  }
0xc1: {  	s14 =	sor.u32 s14, s11;
	s11 =	simm.s32 $0x0  }
0xc2: {  	s14 =	sadd.s32 $0x18280, s14;
	s16 =	sand.u32 $0x1C00, s11  }
0xc3: {  	s18 =	sand.u32 $0x70, s11;
	s22 =	sadd.s32 s16, s14  }
0xc4: {  	s16 =	simm.s32 $0x10;
	s22 =	sadd.s32 s18, s22  }
.LBB2_3:
0xc5: {  	p0 =	sne.s32 s16, $0x3F0  }
0xc6: {  	[tilespmem:s22+$0x0] =	vst v6;
	s11 =	sadd.s32 $0x80, s11;
	s18 =	smov.u32 s16;
	s16 =	sadd.s32 $0x10, s16  }
.Ltmp2:
0xc7: {  	(pc) =	sbr.rel @p0 .LBB2_3-.Ltmp2, $4  }
0xc8: {  	_ = 	snop  }
0xc9: {  	s22 =	sand.u32 $0x1C00, s11  }
0xca: {  	s18 =	sand.u32 $0x70, s18;
	s22 =	sadd.s32 s22, s14  }
0xcb: {  	s22 =	sadd.s32 s18, s22  }
0xcc: {  	s7 =	sadd.s32 $0x1, s7  }
0xcd: {  	p0 =	sne.s32 s7, $0x10  }
.Ltmp3:
0xce: {  	_ = 	snop;
	(pc) =	sbr.rel @p0 .LBB2_2-.Ltmp3, $2  }
0xcf: {  	_ =	sdelay $0x2  }
0xd0: {  	[tilespmem:s22+$0x0] =	vst v6  }
0xd1: {  	s11 =	rddreg [dreg:$0x7]  }
0xd2: {  	s7 =	sand.u32 $0x7E0, s11  }
0xd3: {  	v15 =	vor.u32 s7, v0  }
0xd4: {  	s7 =	sor.u32 $0x10, s7;
	vm0 =	vlt.s32 v15, v14  }
0xd5: {  	vm1 =	vlt.s32 v15, v13;
	v16 =	vor.u32 s7, v0;
	v17 =	vsel vm0, v15, v14  }
0xd6: {  	v18 =	vsel vm1, v15, v13;
	vm0 =	vlt.s32 v16, v13;
	vm1 =	vlt.s32 v15, v8  }
0xd7: {  	s24 =	simm.s32 $0x1;
	vm2 =	vlt.s32 v16, v14;
	v19 =	vsel vm0, v16, v13;
	vm0 =	vlt.s32 v16, v8  }
0xd8: {  	v20 =	vsel vm2, v16, v14;
	vm2 =	vlt.s32 v16, v10;
	v18 =	vadd.s32 s24, v18  }
0xd9: {  	v51 =	vsel vm1, v15, v8;
	v19 =	vadd.s32 s24, v19;
	v21 =	vsel vm0, v16, v8  }
0xda: {  	vm0 =	vlt.s32 v16, v7;
	v48 =	vsel vm2, v16, v10;
	vm2 =	vlt.s32 v16, v12  }
0xdb: {  	v17 =	vadd.s32 v17, v18;
	v19 =	vadd.s32 v20, v19;
	v47 =	vsel vm0, v16, v7  }
0xdc: {  	vm0 =	vlt.s32 v16, v11;
	v50 =	vsel vm2, v16, v12;
	v19 =	vadd.s32 v21, v19  }
0xdd: {  	v49 =	vsel vm0, v16, v11;
	vm0 =	vlt.s32 v16, v9;
	v19 =	vadd.s32 v47, v19  }
0xde: {  	v16 =	vsel vm0, v16, v9;
	vm0 =	vlt.s32 v15, v7;
	v19 =	vadd.s32 v48, v19  }
0xdf: {  	v17 =	vadd.s32 v51, v17;
	v18 =	vsel vm0, v15, v7;
	v19 =	vadd.s32 v49, v19  }
0xe0: {  	vm0 =	vlt.s32 v15, v10;
	v17 =	vadd.s32 v18, v17;
	v19 =	vadd.s32 v50, v19  }
0xe1: {  	v16 =	vadd.s32 v16, v19;
	v19 =	vsel vm0, v15, v10;
	vm0 =	vlt.s32 v15, v11  }
0xe2: {  	s26 =	sadd.s32 $0x400, s11;
	v18 =	vsel vm0, v15, v11;
	vm0 =	vlt.s32 v15, v12;
	v17 =	vadd.s32 v19, v17  }
0xe3: {  	s11 =	sand.u32 $0x7E0, s26;
	vm1 =	vlt.s32 v16, $0x1FFF;
	v19 =	vsel vm0, v15, v12;
	vm0 =	vlt.s32 v15, v9  }
0xe4: {  	v17 =	vadd.s32 v18, v17;
	v16 =	vnsel vm1, $0x1FFF, v16;
	v18 =	vor.u32 s11, v0  }
0xe5: {  	s11 =	sor.u32 $0x10, s11;
	v15 =	vsel vm0, v15, v9;
	v17 =	vadd.s32 v19, v17;
	vm0 =	vlt.s32 v18, v14  }
0xe6: {  	vm1 =	vlt.s32 v18, v13;
	v15 =	vadd.s32 v15, v17;
	v17 =	vor.u32 s11, v0  }
0xe7: {  	s28 =	simm.s32 $0x2;
	v19 =	vsel vm0, v18, v14;
	v52 =	vsel vm1, v18, v13;
	vm1 =	vlt.s32 v18, v8  }
0xe8: {  	vm0 =	vlt.s32 v17, v13;
	vm2 =	vlt.s32 v17, v14;
	v20 =	vadd.s32 s28, v52  }
0xe9: {  	v59 =	vsel vm1, v18, v8;
	v53 =	vsel vm0, v17, v13;
	v22 =	vsel vm2, v17, v14  }
0xea: {  	vm0 =	vlt.s32 v17, v8;
	v19 =	vadd.s32 v19, v20;
	v21 =	vadd.s32 s28, v53  }
0xeb: {  	v54 =	vsel vm0, v17, v8;
	vm0 =	vlt.s32 v17, v7;
	v19 =	vadd.s32 v59, v19  }
0xec: {  	v21 =	vadd.s32 v22, v21;
	v55 =	vsel vm0, v17, v7;
	vm0 =	vlt.s32 v17, v10  }
0xed: {  	v21 =	vadd.s32 v54, v21;
	v56 =	vsel vm0, v17, v10;
	vm0 =	vlt.s32 v17, v11  }
0xee: {  	v21 =	vadd.s32 v55, v21;
	v57 =	vsel vm0, v17, v11;
	vm0 =	vlt.s32 v17, v12  }
0xef: {  	v21 =	vadd.s32 v56, v21;
	v58 =	vsel vm0, v17, v12;
	vm0 =	vlt.s32 v17, v9  }
0xf0: {  	v21 =	vadd.s32 v57, v21;
	v17 =	vsel vm0, v17, v9;
	vm0 =	vlt.s32 v18, v7  }
0xf1: {  	v21 =	vadd.s32 v58, v21;
	v60 =	vsel vm0, v18, v7;
	vm0 =	vlt.s32 v18, v10  }
0xf2: {  	v17 =	vadd.s32 v17, v21;
	v61 =	vsel vm0, v18, v10;
	vm0 =	vlt.s32 v18, v11  }
0xf3: {  	v19 =	vadd.s32 v60, v19;
	vm1 =	vlt.s32 v17, $0x1FFF;
	v62 =	vsel vm0, v18, v11  }
0xf4: {  	s14 =	simm.s32 $0x70;
	vm0 =	vlt.s32 v18, v12;
	v19 =	vadd.s32 v61, v19;
	v17 =	vnsel vm1, $0x1FFF, v17  }
0xf5: {  	s7 =	sadd.s32 $0x400, s26;
	[tilespmem:s14+$0x0] =	vst v16;
	s11 =	simm.s32 $0x90;
	v63 =	vsel vm0, v18, v12;
	vm0 =	vlt.s32 v18, v9;
	v19 =	vadd.s32 v62, v19  }
0xf6: {  	s16 =	simm.s32 $0x5;
	s22 =	simm.s32 $0x6;
	s24 =	sand.u32 $0x7E0, s7;
	[tilespmem:s11+$0x0] =	vst v17;
	v16 =	vsel vm0, v18, v9;
	v17 =	vadd.s32 v63, v19;
	vm0 =	vlt.s32 v15, $0x1FFF  }
.LBB2_6:
0xf7: {  	p0 =	sne.s32 s22, $0xF;
	v18 =	vor.u32 s24, v0;
	s18 =	sor.u32 $0x10, s24;
	v19 =	vnsel vm0, $0x1FFF, v15;
	v15 =	vadd.s32 v16, v17  }
0xf8: {  	vm0 =	vlt.s32 v18, v14;
	vm1 =	vlt.s32 v18, v13;
	v16 =	vor.u32 s18, v0;
	[tilespmem:s14+$0xFFFFFFF0] =	vst v19;
	s14 =	smov.u32 s11  }
0xf9: {  	v17 =	vsel vm0, v18, v14;
	v19 =	vsel vm1, v18, v13;
	vm1 =	vlt.s32 v16, v13  }
0xfa: {  	s18 =	sshrl.u32 s16, $0x1;
	s16 =	smov.u32 s22;
	vm0 =	vlt.s32 v18, v8;
	vm2 =	vlt.s32 v16, v14;
	v20 =	vsel vm1, v16, v13  }
0xfb: {  	v21 =	vsel vm2, v16, v14;
	vm1 =	vlt.s32 v16, v8;
	v20 =	vadd.s32 s18, v20  }
0xfc: {  	v22 =	vsel vm1, v16, v8;
	vm1 =	vlt.s32 v16, v7;
	v20 =	vadd.s32 v21, v20  }
0xfd: {  	v21 =	vsel vm1, v16, v7;
	vm1 =	vlt.s32 v16, v10;
	v20 =	vadd.s32 v22, v20  }
0xfe: {  	v22 =	vsel vm1, v16, v10;
	vm1 =	vlt.s32 v16, v11;
	v20 =	vadd.s32 v21, v20  }
0xff: {  	v21 =	vsel vm1, v16, v11;
	vm1 =	vlt.s32 v16, v12;
	v20 =	vadd.s32 v22, v20  }
0x100: {  	v22 =	vsel vm1, v16, v12;
	vm1 =	vlt.s32 v16, v9;
	v20 =	vadd.s32 v21, v20  }
0x101: {  	v19 =	vadd.s32 s18, v19;
	v16 =	vsel vm1, v16, v9;
	v20 =	vadd.s32 v22, v20  }
0x102: {  	v17 =	vadd.s32 v17, v19;
	v21 =	vsel vm0, v18, v8;
	v16 =	vadd.s32 v16, v20  }
0x103: {  	vm0 =	vlt.s32 v18, v7;
	v17 =	vadd.s32 v21, v17;
	vm1 =	vlt.s32 v16, $0x1FFF  }
.Ltmp4:
0x104: {  	s11 =	sadd.s32 $0x20, s11;
	v19 =	vsel vm0, v18, v7;
	vm0 =	vlt.s32 v18, v10;
	v16 =	vnsel vm1, $0x1FFF, v16;
	(pc) =	sbr.rel @p0 .LBB2_6-.Ltmp4, $4  }
0x105: {  	v20 =	vsel vm0, v18, v10;
	vm0 =	vlt.s32 v18, v11;
	v17 =	vadd.s32 v19, v17;
	[tilespmem:s11+$0x0] =	vst v16  }
0x106: {  	v17 =	vadd.s32 v20, v17;
	v16 =	vsel vm0, v18, v11;
	vm0 =	vlt.s32 v18, v12  }
0x107: {  	s7 =	sadd.s32 $0x400, s7;
	v19 =	vsel vm0, v18, v12;
	vm0 =	vlt.s32 v18, v9;
	v17 =	vadd.s32 v16, v17  }
0x108: {  	s24 =	sand.u32 $0x7E0, s7;
	s22 =	sadd.s32 $0x1, s22;
	v16 =	vsel vm0, v18, v9;
	v17 =	vadd.s32 v19, v17;
	vm0 =	vlt.s32 v15, $0x1FFF  }
0x109: {  	v18 =	vor.u32 s24, v0;
	s7 =	sor.u32 $0x10, s24  }
0x10a: {  	v16 =	vadd.s32 v16, v17;
	v15 =	vnsel vm0, $0x1FFF, v15;
	v55 =	vor.u32 s7, v0  }
0x10b: {  	vm11 =	vlt.s32 v18, v14;
	vm1 =	vlt.s32 v18, v13;
	vm5 =	vlt.s32 v18, v8  }
0x10c: {  	vm8 =	vlt.s32 v18, v7;
	vm9 =	vlt.s32 v18, v10;
	vm10 =	vlt.s32 v18, v11  }
0x10d: {  	vm2 =	vlt.s32 v55, v13;
	v19 =	vsel vm11, v18, v14;
	vm12 =	vlt.s32 v55, v14  }
0x10e: {  	vm13 =	vlt.s32 v55, v8;
	vm14 =	vlt.s32 v55, v7;
	vm15 =	vlt.s32 v55, v10  }
0x10f: {  	vm4 =	vlt.s32 v55, v11;
	v59 =	vsel vm1, v18, v13;
	vm6 =	vlt.s32 v55, v12  }
0x110: {  	vm7 =	vlt.s32 v55, v9;
	vm11 =	vlt.s32 v18, v12;
	v20 =	vsel vm2, v55, v13  }
0x111: {  	s26 =	sshrl.u32 s16, $0x1;
	v14 =	vsel vm12, v55, v14;
	v56 =	vsel vm13, v55, v8;
	v57 =	vsel vm14, v55, v7  }
0x112: {  	v58 =	vsel vm15, v55, v10;
	v60 =	vsel vm4, v55, v11;
	v20 =	vadd.s32 s26, v20  }
0x113: {  	v61 =	vsel vm6, v55, v12;
	v13 =	vadd.s32 s26, v59;
	v14 =	vadd.s32 v14, v20  }
0x114: {  	v17 =	vsel vm7, v55, v9;
	v8 =	vsel vm5, v18, v8;
	v14 =	vadd.s32 v56, v14  }
0x115: {  	v7 =	vsel vm8, v18, v7;
	v13 =	vadd.s32 v19, v13;
	v14 =	vadd.s32 v57, v14  }
0x116: {  	v10 =	vsel vm9, v18, v10;
	v8 =	vadd.s32 v8, v13;
	v14 =	vadd.s32 v58, v14  }
0x117: {  	v62 =	vsel vm11, v18, v12;
	v7 =	vadd.s32 v7, v8;
	v14 =	vadd.s32 v60, v14  }
0x118: {  	v8 =	vsel vm10, v18, v11;
	v7 =	vadd.s32 v10, v7;
	v14 =	vadd.s32 v61, v14  }
0x119: {  	vm12 =	vlt.s32 v18, v9;
	v7 =	vadd.s32 v8, v7;
	v14 =	vadd.s32 v17, v14  }
.Ltmp5:
0x11a: {  	v8 =	vsel vm12, v18, v9;
	v7 =	vadd.s32 v62, v7;
	vm13 =	vlt.s32 v14, $0x1FFF;
	(pc) =	sbr.rel .LBB2_8-.Ltmp5, $4  }
0x11b: {  	s28 =	sadd.s32 $0x20, s11;
	[tilespmem:s14+$0xFFFFFFF0] =	vst v15;
	vm14 =	vlt.s32 v16, $0x1FFF;
	v7 =	vadd.s32 v8, v7;
	v63 =	vnsel vm13, $0x1FFF, v14  }
0x11c: {  	v8 =	vnsel vm14, $0x1FFF, v16;
	vm15 =	vlt.s32 v7, $0x1FFF;
	[tilespmem:s28+$0x0] =	vst v63  }
0x11d: {  	v7 =	vnsel vm15, $0x1FFF, v7;
	[tilespmem:s11+$0xFFFFFFF0] =	vst v8  }
0x11e: {  	s11 =	simm.s32 $0x0;
	[tilespmem:s28+$0xFFFFFFF0] =	vst v7  }
.LBB2_34:
0x11f: {  	s11 =	sadd.s32 $0x1, s11  }
0x120: {  	p0 =	sne.s32 s11, $0x6  }
.Ltmp6:
0x121: {  	_ = 	snop;
	(pc) =	sbr.rel @!p0 .LBB2_35-.Ltmp6, $1  }
0x122: {  	_ =	sdelay $0x3  }
.LBB2_8:
0x123: {  	s16 =	smul.u32 $0x60, s11;
	_ =	sdelay $0x1  }
0x124: {  	s7 =	sshrl.u32 s16, $0x6  }
0x125: {  	s18 =	smov.u32 s29;
	p0 =	seq.s32 s7, $0x0  }
0x126: {  	s18 =	simm.s32 @!p0 $0x0;
	p0 =	seq.s32 s7, $0x1  }
0x127: {  	s18 =	smov.u32 @p0 s30;
	p0 =	seq.s32 s7, $0x2  }
0x128: {  	s18 =	smov.u32 @p0 s31;
	p0 =	seq.s32 s7, $0x3  }
0x129: {  	s18 =	smov.u32 @p0 s0;
	p0 =	seq.s32 s7, $0x4  }
0x12a: {  	s18 =	smov.u32 @p0 s1;
	p0 =	seq.s32 s7, $0x5  }
0x12b: {  	s24 =	sor.u32 s6, s16;
	s18 =	smov.u32 @p0 s3;
	p0 =	seq.s32 s7, $0x6  }
0x12c: {  	s14 =	sshll.u32 s24, $0x5;
	s18 =	smov.u32 @p0 s15;
	p0 =	seq.s32 s7, $0x7  }
0x12d: {  	s14 =	sand.u32 $0x7E0, s14;
	s18 =	smov.u32 @p0 s13  }
0x12e: {  	s22 =	ssub.s32 s18, s14  }
0x12f: {  	p0 =	slt.s32 s22, $0x1  }
.Ltmp7:
0x130: {  	_ = 	snop;
	(pc) =	sbr.rel @p0 .LBB2_14-.Ltmp7, $3  }
0x131: {  	_ =	sdelay $0x1  }
0x132: {  	s18 =	sshll.u32 s24, $0xC  }
0x133: {  	s7 =	sadd.s32 s4, s18  }
0x134: {  	p0 =	sgt.u32 s22, $0x1F  }
.Ltmp8:
0x135: {  	_ = 	snop;
	(pc) =	sbr.rel @p0 .LBB2_13-.Ltmp8, $4  }
0x136: {  	_ = 	snop  }
0x137: {  	_ =	swait.ge [sflag:s25], $0x8000  }
0x138: {  	[sflag:s25] =	ssyncset.done $0x0  }
0x139: {  	[sflag:s25] =	ssyncadd.s32 $0xFFFF8000  }
.LBB2_10:
0x13a: {  	s18 =	sshll.u32 s22, $0xA;
	s24 =	sshll.u32 s22, $0x7  }
0x13b: {  	s18 =	sand.u32 $0x7FFFE000, s18;
	s24 =	sand.u32 $0x380, s24  }
0x13c: {  	s18 =	sor.u32 s24, s18;
	s24 =	simm.s32 $0x0  }
0x13d: {  	s26 =	sadd.s32 $0x280, s18;
	s18 =	sand.u32 $0x1C00, s24  }
0x13e: {  	s19 =	sand.u32 $0x70, s24;
	s18 =	sadd.s32 s18, s26  }
0x13f: {  	s28 =	simm.s32 $0x10;
	s18 =	sadd.s32 s19, s18  }
.LBB2_11:
0x140: {  	p0 =	sne.s32 s28, $0x3F0  }
0x141: {  	[tilespmem:s18+$0x0] =	vst v6;
	s24 =	sadd.s32 $0x80, s24;
	s18 =	smov.u32 s28;
	s28 =	sadd.s32 $0x10, s28  }
.Ltmp9:
0x142: {  	(pc) =	sbr.rel @p0 .LBB2_11-.Ltmp9, $4  }
0x143: {  	_ = 	snop  }
0x144: {  	s19 =	sand.u32 $0x1C00, s24  }
0x145: {  	s18 =	sand.u32 $0x70, s18;
	s19 =	sadd.s32 s19, s26  }
0x146: {  	s18 =	sadd.s32 s18, s19  }
0x147: {  	p0 =	slt.s32 s22, $0x1F  }
.Ltmp10:
0x148: {  	_ = 	snop;
	(pc) =	sbr.rel @p0 .LBB2_10-.Ltmp10, $3  }
0x149: {  	_ =	sdelay $0x1  }
0x14a: {  	s19 =	sadd.s32 $0x1, s22  }
0x14b: {  	[tilespmem:s18+$0x0] =	vst v6;
	s22 =	smov.u32 s19  }
.LBB2_13:
.Ltmp11:
0x14c: {  	(pc) =	sbr.rel .LBB2_15-.Ltmp11, $3  }
0x14d: {  	_ =	sdelay $0x1  }
0x14e: {  	s18 =	simm.s32 $0x280  }
0x14f: {  	[hbm4b:s7+s5] =	stream.linear.scatter [tilespmem:s18], [sflag:$0x4], $0x8000, $0x38;
	[tilespmem:$0x1C280] =	vst v63  }
.LBB2_14:
0x150: {  	[hbm4b:s7+s5] =	stream.linear.scatter [tilespmem:s17], [sflag:$0x4], $0x4000, $0x38;
	[tilespmem:$0x1C280] =	vst v63  }
0x151: {  	s28 =	sadd.s32 s18, s12  }
0x152: {  	[hbm4b:s28+s5] =	stream.linear.scatter [tilespmem:s17], [sflag:$0x4], $0x4000, $0x38;
	[tilespmem:$0x1C280] =	vst v63  }
.LBB2_15:
0x153: {  	p0 =	seq.s32 s11, $0x5  }
.Ltmp12:
0x154: {  	_ = 	snop;
	(pc) =	sbr.rel @p0 .LBB2_35-.Ltmp12, $1  }
0x155: {  	_ =	sdelay $0x3  }
0x156: {  	s7 =	sadd.s32 $0x60, s16  }
0x157: {  	s18 =	sshrl.u32 s7, $0x6  }
0x158: {  	s19 =	smov.u32 s30;
	p0 =	seq.s32 s18, $0x1  }
0x159: {  	s19 =	simm.s32 @!p0 $0x0;
	p0 =	seq.s32 s18, $0x2  }
0x15a: {  	s19 =	smov.u32 @p0 s31;
	p0 =	seq.s32 s18, $0x3  }
0x15b: {  	s19 =	smov.u32 @p0 s0;
	p0 =	seq.s32 s18, $0x4  }
0x15c: {  	s19 =	smov.u32 @p0 s1;
	p0 =	seq.s32 s18, $0x5  }
0x15d: {  	s22 =	sand.u32 $0x20, s7;
	s19 =	smov.u32 @p0 s3;
	p0 =	seq.s32 s18, $0x6  }
0x15e: {  	s22 =	sor.u32 s6, s22;
	s19 =	smov.u32 @p0 s15;
	p0 =	seq.s32 s18, $0x7  }
0x15f: {  	_ =	swait.ge [sflag:s20], $0x8000;
	s28 =	sshll.u32 s22, $0x5;
	s19 =	smov.u32 @p0 s13  }
0x160: {  	[sflag:s20] =	ssyncset.done $0x0;
	s18 =	ssub.s32 s19, s28  }
0x161: {  	[sflag:s20] =	ssyncadd.s32 $0xFFFF8000;
	p0 =	slt.s32 s18, $0x1  }
0x162: {  	v7 =	vld @!p0 [tilespmem:s16+$0x60];
	_ =	sdelay $0x4  }
0x163: {  	v8 =	vshll.u32 @!p0 v7, $0x3  }
0x164: {  	v9 =	vlaneseq.u32 @!p0;
	v7 =	vand.u32 @!p0 $0x7, v7;
	v8 =	vand.u32 @!p0 $0xFFFFFFC0, v8  }
0x165: {  	v10 =	vshrl.u32 @!p0 v9, $0x3;
	v7 =	vor.u32 @!p0 v7, v8;
	v8 =	vand.u32 @!p0 $0x7, v9  }
0x166: {  	v10 =	vmul.u32 @!p0 $0x8, v10;
	v11 =	vperm.xlane @!p0 v7, v8;
	_ =	sdelay $0x1  }
0x167: {  	v11 =	vadd.s32 @!p0 v10, v11;
	_ =	sdelay $0x3  }
0x168: {  	vm0 =	vmmov @!p0 $0xffff;
	s18 =	simm.s32 @!p0 $0x0;
	s19 =	simm.s32 @!p0 $0x280  }
0x169: {  	v9 =	vor.u32 @!p0 $0x8, v9;
	[tilespmem:s19], [sflag:$0x1] =	stream.indirect_vreg.gather @!p0 [hbm4b:s2+s18], $0x80, v11, vm0, $0xb8;
	[tilespmem:$0x1C280] =	vst v63  }
0x16a: {  	v7 =	vperm.xlane @!p0 v7, v9;
	s19 =	simm.s32 @!p0 $0xA80  }
0x16b: {  	[tilespmem:s19], [sflag:$0x1] =	stream.indirect_vreg.gather @!p0 [hbm4b:s8+s18], $0x80, v11, vm0, $0xb8;
	[tilespmem:$0x1C280] =	vst v63  }
0x16c: {  	v7 =	vadd.s32 @!p0 v10, v7;
	s19 =	simm.s32 @!p0 $0x1280  }
0x16d: {  	[tilespmem:s19], [sflag:$0x1] =	stream.indirect_vreg.gather @!p0 [hbm4b:s9+s18], $0x80, v11, vm0, $0xb8;
	[tilespmem:$0x1C280] =	vst v63  }
0x16e: {  	s19 =	simm.s32 @!p0 $0x1A80  }
0x16f: {  	[tilespmem:s19], [sflag:$0x1] =	stream.indirect_vreg.gather @!p0 [hbm4b:s10+s18], $0x80, v11, vm0, $0xb8;
	[tilespmem:$0x1C280] =	vst v63  }
0x170: {  	s19 =	simm.s32 @!p0 $0x2280  }
0x171: {  	[tilespmem:s19], [sflag:$0x1] =	stream.indirect_vreg.gather @!p0 [hbm4b:s2+s18], $0x80, v7, vm0, $0xb8;
	[tilespmem:$0x1C280] =	vst v63  }
0x172: {  	s19 =	simm.s32 @!p0 $0x2A80  }
0x173: {  	[tilespmem:s19], [sflag:$0x1] =	stream.indirect_vreg.gather @!p0 [hbm4b:s8+s18], $0x80, v7, vm0, $0xb8;
	[tilespmem:$0x1C280] =	vst v63  }
0x174: {  	s19 =	simm.s32 @!p0 $0x3280  }
0x175: {  	[tilespmem:s19], [sflag:$0x1] =	stream.indirect_vreg.gather @!p0 [hbm4b:s9+s18], $0x80, v7, vm0, $0xb8;
	[tilespmem:$0x1C280] =	vst v63  }
0x176: {  	s19 =	simm.s32 @!p0 $0x3A80  }
0x177: {  	[tilespmem:s19], [sflag:$0x1] =	stream.indirect_vreg.gather @!p0 [hbm4b:s10+s18], $0x80, v7, vm0, $0xb8;
	[tilespmem:$0x1C280] =	vst v63  }
0x178: {  	v7 =	vld @!p0 [tilespmem:s7+$0x10];
	_ =	sdelay $0x4  }
0x179: {  	v11 =	vshll.u32 @!p0 v7, $0x3  }
0x17a: {  	v7 =	vand.u32 @!p0 $0x7, v7;
	v11 =	vand.u32 @!p0 $0xFFFFFFC0, v11  }
0x17b: {  	v7 =	vor.u32 @!p0 v7, v11  }
0x17c: {  	v8 =	vperm.xlane @!p0 v7, v8;
	_ =	sdelay $0x1  }
0x17d: {  	v8 =	vadd.s32 @!p0 v10, v8;
	_ =	sdelay $0x3  }
0x17e: {  	s7 =	simm.s32 @!p0 $0x4280  }
0x17f: {  	[tilespmem:s7], [sflag:$0x1] =	stream.indirect_vreg.gather @!p0 [hbm4b:s2+s18], $0x80, v8, vm0, $0xb8;
	[tilespmem:$0x1C280] =	vst v63  }
0x180: {  	v7 =	vperm.xlane @!p0 v7, v9;
	s7 =	simm.s32 @!p0 $0x4A80  }
0x181: {  	[tilespmem:s7], [sflag:$0x1] =	stream.indirect_vreg.gather @!p0 [hbm4b:s8+s18], $0x80, v8, vm0, $0xb8;
	[tilespmem:$0x1C280] =	vst v63  }
0x182: {  	v7 =	vadd.s32 @!p0 v10, v7;
	s7 =	simm.s32 @!p0 $0x5280  }
0x183: {  	[tilespmem:s7], [sflag:$0x1] =	stream.indirect_vreg.gather @!p0 [hbm4b:s9+s18], $0x80, v8, vm0, $0xb8;
	[tilespmem:$0x1C280] =	vst v63  }
0x184: {  	s7 =	simm.s32 @!p0 $0x5A80  }
0x185: {  	[tilespmem:s7], [sflag:$0x1] =	stream.indirect_vreg.gather @!p0 [hbm4b:s10+s18], $0x80, v8, vm0, $0xb8;
	[tilespmem:$0x1C280] =	vst v63  }
0x186: {  	s7 =	simm.s32 @!p0 $0x6280  }
0x187: {  	[tilespmem:s7], [sflag:$0x1] =	stream.indirect_vreg.gather @!p0 [hbm4b:s2+s18], $0x80, v7, vm0, $0xb8;
	[tilespmem:$0x1C280] =	vst v63  }
0x188: {  	s7 =	simm.s32 @!p0 $0x6A80  }
0x189: {  	[tilespmem:s7], [sflag:$0x1] =	stream.indirect_vreg.gather @!p0 [hbm4b:s8+s18], $0x80, v7, vm0, $0xb8;
	[tilespmem:$0x1C280] =	vst v63  }
0x18a: {  	s22 =	sadd.s32 $0x20, s16;
	s7 =	simm.s32 @!p0 $0x7280  }
0x18b: {  	[tilespmem:s7], [sflag:$0x1] =	stream.indirect_vreg.gather @!p0 [hbm4b:s9+s18], $0x80, v7, vm0, $0xb8;
	[tilespmem:$0x1C280] =	vst v63  }
0x18c: {  	s24 =	sshrl.u32 s22, $0x6;
	s7 =	simm.s32 @!p0 $0x7A80  }
0x18d: {  	[tilespmem:s7], [sflag:$0x1] =	stream.indirect_vreg.gather @!p0 [hbm4b:s10+s18], $0x80, v7, vm0, $0xb8;
	[tilespmem:$0x1C280] =	vst v63  }
0x18e: {  	s19 =	smov.u32 s29;
	p0 =	seq.s32 s24, $0x0  }
0x18f: {  	s19 =	simm.s32 @!p0 $0x0;
	p0 =	seq.s32 s24, $0x1  }
0x190: {  	s19 =	smov.u32 @p0 s30;
	p0 =	seq.s32 s24, $0x2  }
0x191: {  	s19 =	smov.u32 @p0 s31;
	p0 =	seq.s32 s24, $0x3  }
0x192: {  	s19 =	smov.u32 @p0 s0;
	p0 =	seq.s32 s24, $0x4  }
0x193: {  	s19 =	smov.u32 @p0 s1;
	p0 =	seq.s32 s24, $0x5  }
0x194: {  	s7 =	sor.u32 s6, s22;
	s19 =	smov.u32 @p0 s3;
	p0 =	seq.s32 s24, $0x6  }
0x195: {  	s26 =	sshll.u32 s7, $0x5;
	s19 =	smov.u32 @p0 s15;
	p0 =	seq.s32 s24, $0x7  }
0x196: {  	s28 =	sand.u32 $0x7E0, s26;
	s19 =	smov.u32 @p0 s13  }
0x197: {  	s22 =	ssub.s32 s19, s28  }
0x198: {  	p0 =	slt.s32 s22, $0x1  }
.Ltmp13:
0x199: {  	_ = 	snop;
	(pc) =	sbr.rel @p0 .LBB2_22-.Ltmp13, $3  }
0x19a: {  	_ =	sdelay $0x1  }
0x19b: {  	s18 =	sshll.u32 s7, $0xC  }
0x19c: {  	s7 =	sadd.s32 s4, s18  }
0x19d: {  	p0 =	sgt.u32 s22, $0x1F  }
.Ltmp14:
0x19e: {  	_ = 	snop;
	(pc) =	sbr.rel @p0 .LBB2_21-.Ltmp14, $4  }
0x19f: {  	_ = 	snop  }
0x1a0: {  	_ =	swait.ge [sflag:s23], $0x8000  }
0x1a1: {  	[sflag:s23] =	ssyncset.done $0x0  }
0x1a2: {  	[sflag:s23] =	ssyncadd.s32 $0xFFFF8000  }
.LBB2_18:
0x1a3: {  	s18 =	sshll.u32 s22, $0xA;
	s19 =	sshll.u32 s22, $0x7  }
0x1a4: {  	s18 =	sand.u32 $0x7FFFE000, s18;
	s19 =	sand.u32 $0x380, s19  }
0x1a5: {  	s24 =	simm.s32 $0x0;
	s18 =	sor.u32 s19, s18  }
0x1a6: {  	s26 =	sadd.s32 $0x8280, s18;
	s18 =	sand.u32 $0x1C00, s24  }
0x1a7: {  	s19 =	sand.u32 $0x70, s24;
	s18 =	sadd.s32 s18, s26  }
0x1a8: {  	s28 =	simm.s32 $0x10;
	s18 =	sadd.s32 s19, s18  }
.LBB2_19:
0x1a9: {  	p0 =	sne.s32 s28, $0x3F0  }
0x1aa: {  	[tilespmem:s18+$0x0] =	vst v6;
	s24 =	sadd.s32 $0x80, s24;
	s18 =	smov.u32 s28;
	s28 =	sadd.s32 $0x10, s28  }
.Ltmp15:
0x1ab: {  	(pc) =	sbr.rel @p0 .LBB2_19-.Ltmp15, $4  }
0x1ac: {  	_ = 	snop  }
0x1ad: {  	s19 =	sand.u32 $0x1C00, s24  }
0x1ae: {  	s18 =	sand.u32 $0x70, s18;
	s19 =	sadd.s32 s19, s26  }
0x1af: {  	s18 =	sadd.s32 s18, s19  }
0x1b0: {  	p0 =	slt.s32 s22, $0x1F  }
.Ltmp16:
0x1b1: {  	_ = 	snop;
	(pc) =	sbr.rel @p0 .LBB2_18-.Ltmp16, $3  }
0x1b2: {  	_ =	sdelay $0x1  }
0x1b3: {  	s19 =	sadd.s32 $0x1, s22  }
0x1b4: {  	[tilespmem:s18+$0x0] =	vst v6;
	s22 =	smov.u32 s19  }
.LBB2_21:
.Ltmp17:
0x1b5: {  	(pc) =	sbr.rel .LBB2_23-.Ltmp17, $3  }
0x1b6: {  	_ =	sdelay $0x1  }
0x1b7: {  	s18 =	simm.s32 $0x8280  }
0x1b8: {  	[hbm4b:s7+s5] =	stream.linear.scatter [tilespmem:s18], [sflag:$0x5], $0x8000, $0x38;
	[tilespmem:$0x1C280] =	vst v63  }
.LBB2_22:
0x1b9: {  	[hbm4b:s7+s5] =	stream.linear.scatter [tilespmem:s17], [sflag:$0x5], $0x4000, $0x38;
	[tilespmem:$0x1C280] =	vst v63  }
0x1ba: {  	s28 =	sadd.s32 s18, s12  }
0x1bb: {  	[hbm4b:s28+s5] =	stream.linear.scatter [tilespmem:s17], [sflag:$0x5], $0x4000, $0x38;
	[tilespmem:$0x1C280] =	vst v63  }
.LBB2_23:
0x1bc: {  	p0 =	sgt.u32 s11, $0x3  }
.Ltmp18:
0x1bd: {  	_ = 	snop;
	(pc) =	sbr.rel @p0 .LBB2_25-.Ltmp18, $1  }
0x1be: {  	_ =	sdelay $0x3  }
0x1bf: {  	s7 =	sadd.s32 $0x80, s16  }
0x1c0: {  	s18 =	sshrl.u32 s7, $0x6  }
0x1c1: {  	s19 =	smov.u32 s31;
	p1 =	seq.s32 s18, $0x2  }
0x1c2: {  	s19 =	simm.s32 @!p1 $0x0;
	p1 =	seq.s32 s18, $0x3  }
0x1c3: {  	s19 =	smov.u32 @p1 s0;
	p1 =	seq.s32 s18, $0x4  }
0x1c4: {  	s19 =	smov.u32 @p1 s1;
	p1 =	seq.s32 s18, $0x5  }
0x1c5: {  	s19 =	smov.u32 @p1 s3;
	p1 =	seq.s32 s18, $0x6  }
0x1c6: {  	s28 =	simm.s32 $0x5;
	s19 =	smov.u32 @p1 s15;
	p1 =	seq.s32 s18, $0x7  }
0x1c7: {  	_ =	swait.ge [sflag:s28], $0x8000;
	s19 =	smov.u32 @p1 s13  }
0x1c8: {  	[sflag:s28] =	ssyncset.done $0x0;
	s14 =	ssub.s32 s19, s14  }
0x1c9: {  	[sflag:s28] =	ssyncadd.s32 $0xFFFF8000;
	p1 =	slt.s32 s14, $0x1  }
0x1ca: {  	v7 =	vld @!p1 [tilespmem:s16+$0x80];
	_ =	sdelay $0x4  }
0x1cb: {  	v8 =	vshll.u32 @!p1 v7, $0x3  }
0x1cc: {  	v9 =	vlaneseq.u32 @!p1;
	v7 =	vand.u32 @!p1 $0x7, v7;
	v8 =	vand.u32 @!p1 $0xFFFFFFC0, v8  }
0x1cd: {  	v10 =	vshrl.u32 @!p1 v9, $0x3;
	v7 =	vor.u32 @!p1 v7, v8;
	v8 =	vand.u32 @!p1 $0x7, v9  }
0x1ce: {  	v10 =	vmul.u32 @!p1 $0x8, v10;
	v11 =	vperm.xlane @!p1 v7, v8;
	_ =	sdelay $0x1  }
0x1cf: {  	v11 =	vadd.s32 @!p1 v10, v11;
	_ =	sdelay $0x3  }
0x1d0: {  	vm0 =	vmmov @!p1 $0xffff;
	s14 =	simm.s32 @!p1 $0x0;
	s18 =	simm.s32 @!p1 $0x8280  }
0x1d1: {  	v9 =	vor.u32 @!p1 $0x8, v9;
	[tilespmem:s18], [sflag:$0x2] =	stream.indirect_vreg.gather @!p1 [hbm4b:s2+s14], $0x80, v11, vm0, $0xb8;
	[tilespmem:$0x1C280] =	vst v63  }
0x1d2: {  	v7 =	vperm.xlane @!p1 v7, v9;
	s18 =	simm.s32 @!p1 $0x8A80  }
0x1d3: {  	[tilespmem:s18], [sflag:$0x2] =	stream.indirect_vreg.gather @!p1 [hbm4b:s8+s14], $0x80, v11, vm0, $0xb8;
	[tilespmem:$0x1C280] =	vst v63  }
0x1d4: {  	v7 =	vadd.s32 @!p1 v10, v7;
	s18 =	simm.s32 @!p1 $0x9280  }
0x1d5: {  	[tilespmem:s18], [sflag:$0x2] =	stream.indirect_vreg.gather @!p1 [hbm4b:s9+s14], $0x80, v11, vm0, $0xb8;
	[tilespmem:$0x1C280] =	vst v63  }
0x1d6: {  	s18 =	simm.s32 @!p1 $0x9A80  }
0x1d7: {  	[tilespmem:s18], [sflag:$0x2] =	stream.indirect_vreg.gather @!p1 [hbm4b:s10+s14], $0x80, v11, vm0, $0xb8;
	[tilespmem:$0x1C280] =	vst v63  }
0x1d8: {  	s18 =	simm.s32 @!p1 $0xA280  }
0x1d9: {  	[tilespmem:s18], [sflag:$0x2] =	stream.indirect_vreg.gather @!p1 [hbm4b:s2+s14], $0x80, v7, vm0, $0xb8;
	[tilespmem:$0x1C280] =	vst v63  }
0x1da: {  	s18 =	simm.s32 @!p1 $0xAA80  }
0x1db: {  	[tilespmem:s18], [sflag:$0x2] =	stream.indirect_vreg.gather @!p1 [hbm4b:s8+s14], $0x80, v7, vm0, $0xb8;
	[tilespmem:$0x1C280] =	vst v63  }
0x1dc: {  	s18 =	simm.s32 @!p1 $0xB280  }
0x1dd: {  	[tilespmem:s18], [sflag:$0x2] =	stream.indirect_vreg.gather @!p1 [hbm4b:s9+s14], $0x80, v7, vm0, $0xb8;
	[tilespmem:$0x1C280] =	vst v63  }
0x1de: {  	s18 =	simm.s32 @!p1 $0xBA80  }
0x1df: {  	[tilespmem:s18], [sflag:$0x2] =	stream.indirect_vreg.gather @!p1 [hbm4b:s10+s14], $0x80, v7, vm0, $0xb8;
	[tilespmem:$0x1C280] =	vst v63  }
0x1e0: {  	v7 =	vld @!p1 [tilespmem:s7+$0x10];
	_ =	sdelay $0x4  }
0x1e1: {  	v11 =	vshll.u32 @!p1 v7, $0x3  }
0x1e2: {  	v7 =	vand.u32 @!p1 $0x7, v7;
	v11 =	vand.u32 @!p1 $0xFFFFFFC0, v11  }
0x1e3: {  	v7 =	vor.u32 @!p1 v7, v11  }
0x1e4: {  	v8 =	vperm.xlane @!p1 v7, v8;
	_ =	sdelay $0x1  }
0x1e5: {  	v8 =	vadd.s32 @!p1 v10, v8;
	_ =	sdelay $0x3  }
0x1e6: {  	s7 =	simm.s32 @!p1 $0xC280  }
0x1e7: {  	[tilespmem:s7], [sflag:$0x2] =	stream.indirect_vreg.gather @!p1 [hbm4b:s2+s14], $0x80, v8, vm0, $0xb8;
	[tilespmem:$0x1C280] =	vst v63  }
0x1e8: {  	v7 =	vperm.xlane @!p1 v7, v9;
	s7 =	simm.s32 @!p1 $0xCA80  }
0x1e9: {  	[tilespmem:s7], [sflag:$0x2] =	stream.indirect_vreg.gather @!p1 [hbm4b:s8+s14], $0x80, v8, vm0, $0xb8;
	[tilespmem:$0x1C280] =	vst v63  }
0x1ea: {  	v7 =	vadd.s32 @!p1 v10, v7;
	s7 =	simm.s32 @!p1 $0xD280  }
0x1eb: {  	[tilespmem:s7], [sflag:$0x2] =	stream.indirect_vreg.gather @!p1 [hbm4b:s9+s14], $0x80, v8, vm0, $0xb8;
	[tilespmem:$0x1C280] =	vst v63  }
0x1ec: {  	s7 =	simm.s32 @!p1 $0xDA80  }
0x1ed: {  	[tilespmem:s7], [sflag:$0x2] =	stream.indirect_vreg.gather @!p1 [hbm4b:s10+s14], $0x80, v8, vm0, $0xb8;
	[tilespmem:$0x1C280] =	vst v63  }
0x1ee: {  	s7 =	simm.s32 @!p1 $0xE280  }
0x1ef: {  	[tilespmem:s7], [sflag:$0x2] =	stream.indirect_vreg.gather @!p1 [hbm4b:s2+s14], $0x80, v7, vm0, $0xb8;
	[tilespmem:$0x1C280] =	vst v63  }
0x1f0: {  	s7 =	simm.s32 @!p1 $0xEA80  }
0x1f1: {  	[tilespmem:s7], [sflag:$0x2] =	stream.indirect_vreg.gather @!p1 [hbm4b:s8+s14], $0x80, v7, vm0, $0xb8;
	[tilespmem:$0x1C280] =	vst v63  }
0x1f2: {  	s7 =	simm.s32 @!p1 $0xF280  }
0x1f3: {  	[tilespmem:s7], [sflag:$0x2] =	stream.indirect_vreg.gather @!p1 [hbm4b:s9+s14], $0x80, v7, vm0, $0xb8;
	[tilespmem:$0x1C280] =	vst v63  }
0x1f4: {  	s7 =	simm.s32 @!p1 $0xFA80  }
0x1f5: {  	[tilespmem:s7], [sflag:$0x2] =	stream.indirect_vreg.gather @!p1 [hbm4b:s10+s14], $0x80, v7, vm0, $0xb8;
	[tilespmem:$0x1C280] =	vst v63  }
.LBB2_25:
0x1f6: {  	s7 =	sadd.s32 $0x40, s16  }
0x1f7: {  	s14 =	sshrl.u32 s7, $0x6  }
0x1f8: {  	s18 =	smov.u32 s30;
	p1 =	seq.s32 s14, $0x1  }
0x1f9: {  	s18 =	simm.s32 @!p1 $0x0;
	p1 =	seq.s32 s14, $0x2  }
0x1fa: {  	s18 =	smov.u32 @p1 s31;
	p1 =	seq.s32 s14, $0x3  }
0x1fb: {  	s18 =	smov.u32 @p1 s0;
	p1 =	seq.s32 s14, $0x4  }
0x1fc: {  	s18 =	smov.u32 @p1 s1;
	p1 =	seq.s32 s14, $0x5  }
0x1fd: {  	s7 =	sor.u32 s6, s7;
	s18 =	smov.u32 @p1 s3;
	p1 =	seq.s32 s14, $0x6  }
0x1fe: {  	s19 =	sshll.u32 s7, $0x5;
	s18 =	smov.u32 @p1 s15;
	p1 =	seq.s32 s14, $0x7  }
0x1ff: {  	s28 =	sand.u32 $0x7E0, s19;
	s18 =	smov.u32 @p1 s13  }
0x200: {  	s14 =	ssub.s32 s18, s28  }
0x201: {  	p1 =	slt.s32 s14, $0x1  }
.Ltmp19:
0x202: {  	_ = 	snop;
	(pc) =	sbr.rel @p1 .LBB2_31-.Ltmp19, $3  }
0x203: {  	_ =	sdelay $0x1  }
0x204: {  	s18 =	sshll.u32 s7, $0xC  }
0x205: {  	s7 =	sadd.s32 s4, s18  }
0x206: {  	p1 =	sgt.u32 s14, $0x1F  }
.Ltmp20:
0x207: {  	_ = 	snop;
	(pc) =	sbr.rel @p1 .LBB2_30-.Ltmp20, $4  }
0x208: {  	_ = 	snop  }
0x209: {  	_ =	swait.ge [sflag:s21], $0x8000  }
0x20a: {  	[sflag:s21] =	ssyncset.done $0x0  }
0x20b: {  	[sflag:s21] =	ssyncadd.s32 $0xFFFF8000  }
.LBB2_27:
0x20c: {  	s18 =	sshll.u32 s14, $0xA;
	s19 =	sshll.u32 s14, $0x7  }
0x20d: {  	s18 =	sand.u32 $0x7FFFE000, s18;
	s19 =	sand.u32 $0x380, s19  }
0x20e: {  	s22 =	simm.s32 $0x0;
	s18 =	sor.u32 s19, s18  }
0x20f: {  	s26 =	sand.u32 $0x1C00, s22;
	s24 =	sadd.s32 $0x10280, s18  }
0x210: {  	s28 =	sand.u32 $0x70, s22;
	s18 =	sadd.s32 s26, s24  }
0x211: {  	s26 =	simm.s32 $0x10;
	s18 =	sadd.s32 s28, s18  }
.LBB2_28:
0x212: {  	p1 =	sne.s32 s26, $0x3F0  }
0x213: {  	[tilespmem:s18+$0x0] =	vst v6;
	s22 =	sadd.s32 $0x80, s22;
	s18 =	smov.u32 s26;
	s26 =	sadd.s32 $0x10, s26  }
.Ltmp21:
0x214: {  	(pc) =	sbr.rel @p1 .LBB2_28-.Ltmp21, $4  }
0x215: {  	_ = 	snop  }
0x216: {  	s19 =	sand.u32 $0x1C00, s22  }
0x217: {  	s18 =	sand.u32 $0x70, s18;
	s19 =	sadd.s32 s19, s24  }
0x218: {  	s18 =	sadd.s32 s18, s19  }
0x219: {  	p1 =	slt.s32 s14, $0x1F  }
.Ltmp22:
0x21a: {  	_ = 	snop;
	(pc) =	sbr.rel @p1 .LBB2_27-.Ltmp22, $3  }
0x21b: {  	_ =	sdelay $0x1  }
0x21c: {  	s19 =	sadd.s32 $0x1, s14  }
0x21d: {  	[tilespmem:s18+$0x0] =	vst v6;
	s14 =	smov.u32 s19  }
.LBB2_30:
.Ltmp23:
0x21e: {  	(pc) =	sbr.rel .LBB2_32-.Ltmp23, $3  }
0x21f: {  	_ =	sdelay $0x1  }
0x220: {  	s14 =	simm.s32 $0x10280  }
0x221: {  	[hbm4b:s7+s5] =	stream.linear.scatter [tilespmem:s14], [sflag:$0x6], $0x8000, $0x38;
	[tilespmem:$0x1C280] =	vst v63  }
.LBB2_31:
0x222: {  	[hbm4b:s7+s5] =	stream.linear.scatter [tilespmem:s17], [sflag:$0x6], $0x4000, $0x38;
	[tilespmem:$0x1C280] =	vst v63  }
0x223: {  	s28 =	sadd.s32 s18, s12  }
0x224: {  	[hbm4b:s28+s5] =	stream.linear.scatter [tilespmem:s17], [sflag:$0x6], $0x4000, $0x38;
	[tilespmem:$0x1C280] =	vst v63  }
.LBB2_32:
.Ltmp24:
0x225: {  	(pc) =	sbr.rel @p0 .LBB2_34-.Ltmp24, $1  }
0x226: {  	_ =	sdelay $0x3  }
0x227: {  	s7 =	sadd.s32 $0xA0, s16  }
0x228: {  	s14 =	sshrl.u32 s7, $0x6  }
0x229: {  	s18 =	smov.u32 s31;
	p0 =	seq.s32 s14, $0x2  }
0x22a: {  	s18 =	simm.s32 @!p0 $0x0;
	p0 =	seq.s32 s14, $0x3  }
0x22b: {  	s18 =	smov.u32 @p0 s0;
	p0 =	seq.s32 s14, $0x4  }
0x22c: {  	s28 =	simm.s32 $0x6;
	s18 =	smov.u32 @p0 s1;
	p0 =	seq.s32 s14, $0x5  }
0x22d: {  	s19 =	sand.u32 $0x20, s7;
	s18 =	smov.u32 @p0 s3;
	p0 =	seq.s32 s14, $0x6  }
0x22e: {  	s19 =	sor.u32 s6, s19;
	s18 =	smov.u32 @p0 s15;
	p0 =	seq.s32 s14, $0x7  }
0x22f: {  	_ =	swait.ge [sflag:s28], $0x8000;
	s26 =	sshll.u32 s19, $0x5;
	s18 =	smov.u32 @p0 s13  }
0x230: {  	[sflag:s28] =	ssyncset.done $0x0;
	s14 =	ssub.s32 s18, s26  }
0x231: {  	[sflag:s28] =	ssyncadd.s32 $0xFFFF8000;
	p0 =	slt.s32 s14, $0x1  }
0x232: {  	v7 =	vld @!p0 [tilespmem:s16+$0xA0];
	_ =	sdelay $0x4  }
0x233: {  	v8 =	vshll.u32 @!p0 v7, $0x3  }
0x234: {  	v9 =	vlaneseq.u32 @!p0;
	v7 =	vand.u32 @!p0 $0x7, v7;
	v8 =	vand.u32 @!p0 $0xFFFFFFC0, v8  }
0x235: {  	v10 =	vshrl.u32 @!p0 v9, $0x3;
	v7 =	vor.u32 @!p0 v7, v8;
	v8 =	vand.u32 @!p0 $0x7, v9  }
0x236: {  	v10 =	vmul.u32 @!p0 $0x8, v10;
	v11 =	vperm.xlane @!p0 v7, v8;
	_ =	sdelay $0x1  }
0x237: {  	v11 =	vadd.s32 @!p0 v10, v11;
	_ =	sdelay $0x3  }
0x238: {  	vm0 =	vmmov @!p0 $0xffff;
	s14 =	simm.s32 @!p0 $0x0;
	s16 =	simm.s32 @!p0 $0x10280  }
0x239: {  	v9 =	vor.u32 @!p0 $0x8, v9;
	[tilespmem:s16], [sflag:$0x3] =	stream.indirect_vreg.gather @!p0 [hbm4b:s2+s14], $0x80, v11, vm0, $0xb8;
	[tilespmem:$0x1C280] =	vst v63  }
0x23a: {  	v7 =	vperm.xlane @!p0 v7, v9;
	s16 =	simm.s32 @!p0 $0x10A80  }
0x23b: {  	[tilespmem:s16], [sflag:$0x3] =	stream.indirect_vreg.gather @!p0 [hbm4b:s8+s14], $0x80, v11, vm0, $0xb8;
	[tilespmem:$0x1C280] =	vst v63  }
0x23c: {  	v7 =	vadd.s32 @!p0 v10, v7;
	s16 =	simm.s32 @!p0 $0x11280  }
0x23d: {  	[tilespmem:s16], [sflag:$0x3] =	stream.indirect_vreg.gather @!p0 [hbm4b:s9+s14], $0x80, v11, vm0, $0xb8;
	[tilespmem:$0x1C280] =	vst v63  }
0x23e: {  	s16 =	simm.s32 @!p0 $0x11A80  }
0x23f: {  	[tilespmem:s16], [sflag:$0x3] =	stream.indirect_vreg.gather @!p0 [hbm4b:s10+s14], $0x80, v11, vm0, $0xb8;
	[tilespmem:$0x1C280] =	vst v63  }
0x240: {  	s16 =	simm.s32 @!p0 $0x12280  }
0x241: {  	[tilespmem:s16], [sflag:$0x3] =	stream.indirect_vreg.gather @!p0 [hbm4b:s2+s14], $0x80, v7, vm0, $0xb8;
	[tilespmem:$0x1C280] =	vst v63  }
0x242: {  	s16 =	simm.s32 @!p0 $0x12A80  }
0x243: {  	[tilespmem:s16], [sflag:$0x3] =	stream.indirect_vreg.gather @!p0 [hbm4b:s8+s14], $0x80, v7, vm0, $0xb8;
	[tilespmem:$0x1C280] =	vst v63  }
0x244: {  	s16 =	simm.s32 @!p0 $0x13280  }
0x245: {  	[tilespmem:s16], [sflag:$0x3] =	stream.indirect_vreg.gather @!p0 [hbm4b:s9+s14], $0x80, v7, vm0, $0xb8;
	[tilespmem:$0x1C280] =	vst v63  }
0x246: {  	s16 =	simm.s32 @!p0 $0x13A80  }
0x247: {  	[tilespmem:s16], [sflag:$0x3] =	stream.indirect_vreg.gather @!p0 [hbm4b:s10+s14], $0x80, v7, vm0, $0xb8;
	[tilespmem:$0x1C280] =	vst v63  }
0x248: {  	v7 =	vld @!p0 [tilespmem:s7+$0x10];
	_ =	sdelay $0x4  }
0x249: {  	v11 =	vshll.u32 @!p0 v7, $0x3  }
0x24a: {  	v7 =	vand.u32 @!p0 $0x7, v7;
	v11 =	vand.u32 @!p0 $0xFFFFFFC0, v11  }
0x24b: {  	v7 =	vor.u32 @!p0 v7, v11  }
0x24c: {  	v8 =	vperm.xlane @!p0 v7, v8;
	_ =	sdelay $0x1  }
0x24d: {  	v8 =	vadd.s32 @!p0 v10, v8;
	_ =	sdelay $0x3  }
0x24e: {  	s7 =	simm.s32 @!p0 $0x14280  }
0x24f: {  	[tilespmem:s7], [sflag:$0x3] =	stream.indirect_vreg.gather @!p0 [hbm4b:s2+s14], $0x80, v8, vm0, $0xb8;
	[tilespmem:$0x1C280] =	vst v63  }
0x250: {  	v7 =	vperm.xlane @!p0 v7, v9;
	s7 =	simm.s32 @!p0 $0x14A80  }
0x251: {  	[tilespmem:s7], [sflag:$0x3] =	stream.indirect_vreg.gather @!p0 [hbm4b:s8+s14], $0x80, v8, vm0, $0xb8;
	[tilespmem:$0x1C280] =	vst v63  }
0x252: {  	v7 =	vadd.s32 @!p0 v10, v7;
	s7 =	simm.s32 @!p0 $0x15280  }
0x253: {  	[tilespmem:s7], [sflag:$0x3] =	stream.indirect_vreg.gather @!p0 [hbm4b:s9+s14], $0x80, v8, vm0, $0xb8;
	[tilespmem:$0x1C280] =	vst v63  }
0x254: {  	s7 =	simm.s32 @!p0 $0x15A80  }
0x255: {  	[tilespmem:s7], [sflag:$0x3] =	stream.indirect_vreg.gather @!p0 [hbm4b:s10+s14], $0x80, v8, vm0, $0xb8;
	[tilespmem:$0x1C280] =	vst v63  }
0x256: {  	s7 =	simm.s32 @!p0 $0x16280  }
0x257: {  	[tilespmem:s7], [sflag:$0x3] =	stream.indirect_vreg.gather @!p0 [hbm4b:s2+s14], $0x80, v7, vm0, $0xb8;
	[tilespmem:$0x1C280] =	vst v63  }
0x258: {  	s7 =	simm.s32 @!p0 $0x16A80  }
0x259: {  	[tilespmem:s7], [sflag:$0x3] =	stream.indirect_vreg.gather @!p0 [hbm4b:s8+s14], $0x80, v7, vm0, $0xb8;
	[tilespmem:$0x1C280] =	vst v63  }
.Ltmp25:
0x25a: {  	_ = 	snop;
	(pc) =	sbr.rel .LBB2_34-.Ltmp25, $4  }
0x25b: {  	s7 =	simm.s32 @!p0 $0x17280  }
0x25c: {  	[tilespmem:s7], [sflag:$0x3] =	stream.indirect_vreg.gather @!p0 [hbm4b:s9+s14], $0x80, v7, vm0, $0xb8;
	[tilespmem:$0x1C280] =	vst v63  }
0x25d: {  	s7 =	simm.s32 @!p0 $0x17A80  }
0x25e: {  	[tilespmem:s7], [sflag:$0x3] =	stream.indirect_vreg.gather @!p0 [hbm4b:s10+s14], $0x80, v7, vm0, $0xb8;
	[tilespmem:$0x1C280] =	vst v63  }
.LBB2_36:
0x25f: {  	_ =	sfence.sel $0x180000  }
0x260: {  	[bflag:$0x0] =	sbarrier.arrive $0xFFFF  }
0x261: {  	_ =	strace $0x90000047  }
0x262: {  	s0 =	stileid.u32;
	[bflag:$0x2] =	sbarrier.arrive $0xFFFF  }
0x263: {  	p0 =	sne.s32 s0, $0x0;
	s0 =	rddreg [dreg:$0x3]  }
0x264: {  	s0 =	sadd.s32 @!p0 $0x100000, s0  }
0x265: {  	[sflag:s0] =	ssyncadd.tile.s32 @!p0 $0x1;
	_ =	shalt  }
.Lfunc_end2:
_tile_overlayer_lowered:
.L_overlay_start_2:
0x266: {  	(tag) =	ssettag $0x2  }
0x267: {  	s0 =	rddreg [dreg:$0x0];
	s2 =	stileid.u32  }
0x268: {  	s1 =	rddreg [dreg:$0x1];
	p0 =	sne.s32 s2, $0x0  }
0x269: {  	s3 =	rddreg [dreg:$0x2];
	[bflag:$0x3] =	sbarrier.arrive $0xFFFF;
	s2 =	simm.s32 @!p0 $0x1C07  }
0x26a: {  	[timem:s3], [sflag:s2] =	dma.local @!p0 [hbm:s0], s1  }
0x26b: {  	s0 =	simm.s32 @!p0 $0x7  }
0x26c: {  	_ =	swait.ge @!p0 [sflag:s0], s1  }
0x26d: {  	s1 =	ssub.s32 @!p0 $0x0, s1;
	[sflag:s0] =	ssyncset.done @!p0 $0x0  }
0x26e: {  	[sflag:s0] =	ssyncadd.s32 @!p0 s1  }
0x26f: {  	[bflag:$0x3] =	sbarrier.arrive $0xFFFF  }
0x270: {  	_ =	shalt  }

</sc_bundles>
